<compile_context>
chip_gen: v7x
topology: tpu7x:2x2x1
jax: 0.10.2.dev20260603
libtpu: 0.0.44.dev20260713+nightly
codegen_flags: <defaults>
</compile_context>

<pallas_src>
import functools

import jax
import jax.numpy as jnp
from jax import lax
from jax.experimental import pallas as pl
from jax.experimental.pallas import tpu as pltpu
from jax.experimental.pallas import tpu_sc as plsc

B = 4
N = 2048
K = 1024
TILE = 256


def _rank_kernel(conf_row_ref, conf_col_ref, lg_ref, preds_ref, idx_ref):
    conf_row = conf_row_ref[0]
    iota_row = lax.broadcasted_iota(jnp.int32, (1, N), 1)

    ones_row = jnp.ones((1, TILE), jnp.bfloat16)
    rankf = jnp.zeros((1, N), jnp.float32)
    for t in range(N // TILE):
        cj = conf_col_ref[0, t * TILE:(t + 1) * TILE, 0:1]
        jj = lax.broadcasted_iota(jnp.int32, (TILE, 1), 0) + t * TILE
        gt = cj > conf_row
        eqb = (cj == conf_row) & (jj < iota_row)
        maskh = (gt | eqb).astype(jnp.bfloat16)
        rankf = rankf + lax.dot_general(
            ones_row, maskh, (((1,), (0,)), ((), ())),
            preferred_element_type=jnp.float32)

    lg = lg_ref[0]
    lg_hi = lg.astype(jnp.bfloat16)
    r1 = lg - lg_hi.astype(jnp.float32)
    lg_mid = r1.astype(jnp.bfloat16)
    lg_lo = (r1 - lg_mid.astype(jnp.float32)).astype(jnp.bfloat16)
    ii = lax.broadcasted_iota(jnp.int32, (N, 1), 0)
    ia = (ii // 256).astype(jnp.bfloat16)
    ic = (ii % 256).astype(jnp.bfloat16)
    vals = jnp.concatenate(
        [lg_hi, lg_mid, lg_lo, ia, ic], axis=1)

    for t in range(N // TILE):
        rr = (lax.broadcasted_iota(jnp.int32, (TILE, 1), 0)
              + t * TILE).astype(jnp.float32)
        oh = (rankf == rr).astype(jnp.bfloat16)
        out = lax.dot_general(
            oh, vals, (((1,), (0,)), ((), ())),
            preferred_element_type=jnp.float32)
        preds_ref[0, t * TILE:(t + 1) * TILE, :] = (
            out[:, 0:2] + out[:, 2:4] + out[:, 4:6])
        idx_ref[0, t * TILE:(t + 1) * TILE, :] = (
            256 * out[:, 6:7] + out[:, 7:8]).astype(jnp.int32)


_NC = 2
_NS = 16
_NW = _NC * _NS
_FPW = K // 8
_CH = 16
_NCH = _FPW // _CH


def _sc_body(x_hbm, idx_hbm, sf_hbm, fidx_v, buf_v,
             gsem_a, gsem_b, osem_a, osem_b):
    cid = lax.axis_index("c")
    sid = lax.axis_index("s")
    wid = sid * _NC + cid

    bb = wid // 8
    x_b = x_hbm.at[bb]
    sf_b = sf_hbm.at[bb]
    obase = (wid % 8) * _FPW
    pltpu.sync_copy(idx_hbm.at[bb].at[pl.ds(obase, _FPW)], fidx_v)
    gsems = (gsem_a, gsem_b)
    osems = (osem_a, osem_b)
    gd = [None, None]
    od = [None, None]
    for ch in range(_NCH):
        s = ch % 2
        if od[s] is not None:
            od[s].wait()
        gd[s] = pltpu.async_copy(
            x_b.at[fidx_v.at[pl.ds(ch * _CH, _CH)]],
            buf_v.at[s], gsems[s])
        if ch > 0:
            p = 1 - s
            gd[p].wait()
            od[p] = pltpu.async_copy(
                buf_v.at[p],
                sf_b.at[pl.ds(obase + (ch - 1) * _CH, _CH)], osems[p])
    s = (_NCH - 1) % 2
    gd[s].wait()
    od[s] = pltpu.async_copy(
        buf_v.at[s], sf_b.at[pl.ds(obase + (_NCH - 1) * _CH, _CH)],
        osems[s])
    od[0].wait()
    od[1].wait()


def kernel(x_feat, logits_feat):
    probs = jax.nn.softmax(logits_feat, axis=-1)
    conf = jnp.max(probs, axis=-1)
    conf_row = conf.reshape(B, 1, N)
    conf_col = conf.reshape(B, N, 1)

    preds, idx = pl.pallas_call(
        _rank_kernel,
        grid=(B,),
        in_specs=[
            pl.BlockSpec((1, 1, N), lambda b: (b, 0, 0)),
            pl.BlockSpec((1, N, 1), lambda b: (b, 0, 0)),
            pl.BlockSpec((1, N, 2), lambda b: (b, 0, 0)),
        ],
        out_specs=[
            pl.BlockSpec((1, N, 2), lambda b: (b, 0, 0)),
            pl.BlockSpec((1, N, 1), lambda b: (b, 0, 0)),
        ],
        out_shape=[
            jax.ShapeDtypeStruct((B, N, 2), jnp.float32),
            jax.ShapeDtypeStruct((B, N, 1), jnp.int32),
        ],
    )(conf_row, conf_col, logits_feat)

    D = x_feat.shape[-1]
    gather_call = functools.partial(
        pl.kernel,
        mesh=plsc.VectorSubcoreMesh(core_axis_name="c", subcore_axis_name="s"),
        out_type=[
            jax.ShapeDtypeStruct((B, K, D), jnp.float32),
        ],
        scratch_types=[
            pltpu.VMEM((_FPW,), jnp.int32),
            pltpu.VMEM((2, _CH, D), jnp.float32),
            pltpu.SemaphoreType.DMA,
            pltpu.SemaphoreType.DMA,
            pltpu.SemaphoreType.DMA,
            pltpu.SemaphoreType.DMA,
        ],
    )(_sc_body)
    (sf,) = gather_call(x_feat, idx.reshape(B, N))
    return sf, preds[:, :K, :], preds[:, K:, :]

# --- scband reference (transcript-rebuilt; emitter-appended) ---
"""Pipeline reference for scband-selector-4913442586841 (READ-ONLY COPY).

The authoritative reference and input builder live on the scoring server;
editing this copy changes nothing except your own understanding.
"""

import jax, jax.numpy as jnp
import numpy as np

NUM_SELECT = 1024  # num_select['feat'] from init_kwargs


def setup_inputs(seed: int = 0) -> dict:
    key = jax.random.key(seed)
    k1, k2 = jax.random.split(key)
    x_feat = jax.random.normal(k1, (4, 2048, 2048), dtype=jnp.float32)
    logits_feat = jax.random.normal(k2, (4, 2048, 2), dtype=jnp.float32)
    return {"x_feat": x_feat, "logits_feat": logits_feat}


def reference(x_feat, logits_feat):
    # x (dict) -> single key 'feat'; logits (dict) -> single key 'feat'.
    probs = jax.nn.softmax(logits_feat, axis=-1)            # [B, N, C]
    conf = jnp.max(probs, axis=-1)                          # [B, N]
    # torch: argsort(dim=-1, descending=True)
    ranks = jnp.argsort(-conf, axis=-1)                     # [B, N]
    top_rank = ranks[:, :NUM_SELECT]                        # [B, K]
    bot_rank = ranks[:, NUM_SELECT:]                        # [B, N-K]
    # gather along token dim, expanded over feature dim
    sf = jnp.take_along_axis(x_feat, top_rank[:, :, None], axis=1)          # [B, K, d]
    preds_1 = jnp.take_along_axis(logits_feat, top_rank[:, :, None], axis=1)  # [B, K, C]
    preds_0 = jnp.take_along_axis(logits_feat, bot_rank[:, :, None], axis=1)  # [B, N-K, C]
    # selections['feat'] = sf; logits['select']=[preds_1]; logits['drop']=[preds_0]
    return sf, preds_1, preds_0

if __name__ == "__main__":
    import jax
    _d = setup_inputs()
    print(jax.jit(kernel)(*tuple(_d.values())))

</pallas_src>

<mosaic_0001>
#map = affine_map<(d0, d1) -> (0, 0, 0)>
#map1 = affine_map<(d0, d1) -> (0, 0)>
module attributes {stable_mosaic.version = 14 : i64} {
  func.func @_sc_body(%arg0: i32, %arg1: i32, %arg2: memref<4x2048x2048xf32, #tpu.memory_space<hbm>>, %arg3: memref<4x2048xi32, #tpu.memory_space<hbm>>, %arg4: memref<4x1024x2048xf32, #tpu.memory_space<hbm>>, %arg5: memref<128xi32, #tpu.memory_space<vmem>>, %arg6: memref<2x16x2048xf32, #tpu.memory_space<vmem>>, %arg7: memref<!tpu.dma_semaphore, #tpu.memory_space<semaphore_mem>>, %arg8: memref<!tpu.dma_semaphore, #tpu.memory_space<semaphore_mem>>, %arg9: memref<!tpu.dma_semaphore, #tpu.memory_space<semaphore_mem>>, %arg10: memref<!tpu.dma_semaphore, #tpu.memory_space<semaphore_mem>>) attributes {dimension_semantics = [#tpu.dimension_semantics<core_parallel>, #tpu.dimension_semantics<subcore_parallel>], iteration_bounds = array<i64: 2, 16>, scalar_prefetch = 0 : i64, scratch_operands = 6 : i64, tpu.core_type = #tpu.core_type<sc_vector_subcore>, window_params = [{transform_indices = #map}, {transform_indices = #map1}, {transform_indices = #map}]} {
    %mul3A = arith.constant 2 : i32
    %mul3A_0 = arith.muli %arg1, %mul3A : i32
    %add3A = arith.addi %mul3A_0, %arg0 : i32
    %jit3A = arith.constant 8 : i32
    %div3A = arith.divsi %add3A, %jit3A : i32
    %sign3A = arith.constant 0 : i32
    %sign3A_1 = arith.cmpi sgt, %add3A, %sign3A : i32
    %sign3A_2 = arith.extui %sign3A_1 : i1 to i32
    %sign3A_3 = arith.constant 0 : i32
    %sign3A_4 = arith.cmpi slt, %add3A, %sign3A_3 : i32
    %sign3A_5 = arith.extui %sign3A_4 : i1 to i32
    %sign3A_6 = arith.subi %sign3A_2, %sign3A_5 : i32
    %sign3A_7 = arith.constant 0 : i32
    %sign3A_8 = arith.cmpi sgt, %jit3A, %sign3A_7 : i32
    %sign3A_9 = arith.extui %sign3A_8 : i1 to i32
    %sign3A_10 = arith.constant 0 : i32
    %sign3A_11 = arith.cmpi slt, %jit3A, %sign3A_10 : i32
    %sign3A_12 = arith.extui %sign3A_11 : i1 to i32
    %sign3A_13 = arith.subi %sign3A_9, %sign3A_12 : i32
    %ne3A = arith.cmpi ne, %sign3A_6, %sign3A_13 : i32
    %rem3A = arith.remsi %add3A, %jit3A : i32
    %ne3A_14 = arith.constant 0 : i32
    %ne3A_15 = arith.cmpi ne, %rem3A, %ne3A_14 : i32
    %and3A = arith.andi %ne3A, %ne3A_15 : i1
    %sub3A = arith.constant 1 : i32
    %sub3A_16 = arith.subi %div3A, %sub3A : i32
    %select_n3A = arith.select %and3A, %sub3A_16, %div3A : i32
    %jit3A_17 = arith.constant 8 : i32
    %eq3A = arith.constant 0 : i32
    %eq3A_18 = arith.cmpi eq, %jit3A_17, %eq3A : i32
    %jit3A_19 = arith.constant 1 : i32
    %select_n3A_20 = arith.select %eq3A_18, %jit3A_19, %jit3A_17 : i32
    %rem3A_21 = arith.remsi %add3A, %select_n3A_20 : i32
    %ne3A_22 = arith.constant 0 : i32
    %ne3A_23 = arith.cmpi ne, %rem3A_21, %ne3A_22 : i32
    %lt3A = arith.constant 0 : i32
    %lt3A_24 = arith.cmpi slt, %rem3A_21, %lt3A : i32
    %lt3A_25 = arith.constant 0 : i32
    %lt3A_26 = arith.cmpi slt, %select_n3A_20, %lt3A_25 : i32
    %ne3A_27 = arith.xori %lt3A_24, %lt3A_26 : i1
    %and3A_28 = arith.andi %ne3A_27, %ne3A_23 : i1
    %add3A_29 = arith.addi %rem3A_21, %select_n3A_20 : i32
    %select_n3A_30 = arith.select %and3A_28, %add3A_29, %rem3A_21 : i32
    %mul3A_31 = arith.constant 128 : i32
    %mul3A_32 = arith.muli %select_n3A_30, %mul3A_31 : i32
    "tpu.region"() ({
      %run_scoped3A = tpu.sem_alloc : memref<!tpu.dma_semaphore, #tpu.memory_space<semaphore_mem>>
      %dma_start3A_607 = arith.constant 0 : i32
      %dma_start3A_608 = tpu.memref_slice %arg3[%select_n3A, %dma_start3A_607] : memref<4x2048xi32, #tpu.memory_space<hbm>> -> memref<1x2048xi32, #tpu.memory_space<hbm>>
      %dma_start3A_609 = tpu.memref_squeeze %dma_start3A_608 : memref<1x2048xi32, #tpu.memory_space<hbm>> -> memref<2048xi32, #tpu.memory_space<hbm>>
      %dma_start3A_610 = tpu.memref_slice %dma_start3A_609[%mul3A_32] : memref<2048xi32, #tpu.memory_space<hbm>> -> memref<128xi32, #tpu.memory_space<hbm>>
      %dma_start3A_611 = arith.constant 0 : i32
      %dma_start3A_612 = tpu.memref_slice %arg3[%select_n3A, %dma_start3A_611] : memref<4x2048xi32, #tpu.memory_space<hbm>> -> memref<1x2048xi32, #tpu.memory_space<hbm>>
      %dma_start3A_613 = tpu.memref_squeeze %dma_start3A_612 : memref<1x2048xi32, #tpu.memory_space<hbm>> -> memref<2048xi32, #tpu.memory_space<hbm>>
      %dma_start3A_614 = tpu.memref_slice %dma_start3A_613[%mul3A_32] : memref<2048xi32, #tpu.memory_space<hbm>> -> memref<128xi32, #tpu.memory_space<hbm>>
      tpu.enqueue_dma source(%dma_start3A_614 : memref<128xi32, #tpu.memory_space<hbm>>) target(%arg5 : memref<128xi32, #tpu.memory_space<vmem>>) target_semaphore(%run_scoped3A : memref<!tpu.dma_semaphore, #tpu.memory_space<semaphore_mem>>)
      %dma_wait3A_615 = arith.constant 0 : i32
      %dma_wait3A_616 = tpu.memref_slice %arg3[%select_n3A, %dma_wait3A_615] : memref<4x2048xi32, #tpu.memory_space<hbm>> -> memref<1x2048xi32, #tpu.memory_space<hbm>>
      %dma_wait3A_617 = tpu.memref_squeeze %dma_wait3A_616 : memref<1x2048xi32, #tpu.memory_space<hbm>> -> memref<2048xi32, #tpu.memory_space<hbm>>
      %dma_wait3A_618 = tpu.memref_slice %dma_wait3A_617[%mul3A_32] : memref<2048xi32, #tpu.memory_space<hbm>> -> memref<128xi32, #tpu.memory_space<hbm>>
      %dma_wait3A_619 = arith.constant 0 : i32
      %dma_wait3A_620 = tpu.memref_slice %arg3[%select_n3A, %dma_wait3A_619] : memref<4x2048xi32, #tpu.memory_space<hbm>> -> memref<1x2048xi32, #tpu.memory_space<hbm>>
      %dma_wait3A_621 = tpu.memref_squeeze %dma_wait3A_620 : memref<1x2048xi32, #tpu.memory_space<hbm>> -> memref<2048xi32, #tpu.memory_space<hbm>>
      %dma_wait3A_622 = tpu.memref_slice %dma_wait3A_621[%mul3A_32] : memref<2048xi32, #tpu.memory_space<hbm>> -> memref<128xi32, #tpu.memory_space<hbm>>
      tpu.wait_dma2 semaphore(%run_scoped3A : memref<!tpu.dma_semaphore, #tpu.memory_space<semaphore_mem>>) src(%dma_wait3A_622 : memref<128xi32, #tpu.memory_space<hbm>>) dst(%arg5 : memref<128xi32, #tpu.memory_space<vmem>>)
      tpu.yield
    }) : () -> ()
    %dma_start3A = arith.constant 0 : i32
    %dma_start3A_33 = arith.constant 0 : i32
    %dma_start3A_34 = arith.constant 0 : i32
    %dma_start3A_35 = tpu.memref_slice %arg6[%dma_start3A, %dma_start3A_33, %dma_start3A_34] : memref<2x16x2048xf32, #tpu.memory_space<vmem>> -> memref<1x16x2048xf32, #tpu.memory_space<vmem>>
    %dma_start3A_36 = tpu.memref_squeeze %dma_start3A_35 : memref<1x16x2048xf32, #tpu.memory_space<vmem>> -> memref<16x2048xf32, #tpu.memory_space<vmem>>
    %dma_start3A_37 = arith.constant 0 : i32
    %dma_start3A_38 = tpu.memref_slice %arg5[%dma_start3A_37] : memref<128xi32, #tpu.memory_space<vmem>> -> memref<16xi32, #tpu.memory_space<vmem>>
    %dma_start3A_39 = arith.constant 0 : i32
    %dma_start3A_40 = arith.constant 0 : i32
    %dma_start3A_41 = tpu.memref_slice %arg2[%select_n3A, %dma_start3A_39, %dma_start3A_40] : memref<4x2048x2048xf32, #tpu.memory_space<hbm>> -> memref<1x2048x2048xf32, #tpu.memory_space<hbm>>
    %dma_start3A_42 = tpu.memref_squeeze %dma_start3A_41 : memref<1x2048x2048xf32, #tpu.memory_space<hbm>> -> memref<2048x2048xf32, #tpu.memory_space<hbm>>
    %dma_start3A_43 = arith.constant 0 : i32
    %dma_start3A_44 = arith.constant 0 : i32
    %dma_start3A_45 = tpu.memref_slice %dma_start3A_42[%dma_start3A_43, %dma_start3A_44] : memref<2048x2048xf32, #tpu.memory_space<hbm>> -> memref<2048x2048xf32, #tpu.memory_space<hbm>>
    tpu.enqueue_indirect_dma source(%dma_start3A_45 : memref<2048x2048xf32, #tpu.memory_space<hbm>>) target(%dma_start3A_36 : memref<16x2048xf32, #tpu.memory_space<vmem>>) offsets(%dma_start3A_38 : memref<16xi32, #tpu.memory_space<vmem>>) semaphore(%arg7 : memref<!tpu.dma_semaphore, #tpu.memory_space<semaphore_mem>>)
    %dma_start3A_46 = arith.constant 1 : i32
    %dma_start3A_47 = arith.constant 0 : i32
    %dma_start3A_48 = arith.constant 0 : i32
    %dma_start3A_49 = tpu.memref_slice %arg6[%dma_start3A_46, %dma_start3A_47, %dma_start3A_48] : memref<2x16x2048xf32, #tpu.memory_space<vmem>> -> memref<1x16x2048xf32, #tpu.memory_space<vmem>>
    %dma_start3A_50 = tpu.memref_squeeze %dma_start3A_49 : memref<1x16x2048xf32, #tpu.memory_space<vmem>> -> memref<16x2048xf32, #tpu.memory_space<vmem>>
    %dma_start3A_51 = arith.constant 16 : i32
    %dma_start3A_52 = tpu.memref_slice %arg5[%dma_start3A_51] : memref<128xi32, #tpu.memory_space<vmem>> -> memref<16xi32, #tpu.memory_space<vmem>>
    %dma_start3A_53 = arith.constant 0 : i32
    %dma_start3A_54 = arith.constant 0 : i32
    %dma_start3A_55 = tpu.memref_slice %arg2[%select_n3A, %dma_start3A_53, %dma_start3A_54] : memref<4x2048x2048xf32, #tpu.memory_space<hbm>> -> memref<1x2048x2048xf32, #tpu.memory_space<hbm>>
    %dma_start3A_56 = tpu.memref_squeeze %dma_start3A_55 : memref<1x2048x2048xf32, #tpu.memory_space<hbm>> -> memref<2048x2048xf32, #tpu.memory_space<hbm>>
    %dma_start3A_57 = arith.constant 0 : i32
    %dma_start3A_58 = arith.constant 0 : i32
    %dma_start3A_59 = tpu.memref_slice %dma_start3A_56[%dma_start3A_57, %dma_start3A_58] : memref<2048x2048xf32, #tpu.memory_space<hbm>> -> memref<2048x2048xf32, #tpu.memory_space<hbm>>
    tpu.enqueue_indirect_dma source(%dma_start3A_59 : memref<2048x2048xf32, #tpu.memory_space<hbm>>) target(%dma_start3A_50 : memref<16x2048xf32, #tpu.memory_space<vmem>>) offsets(%dma_start3A_52 : memref<16xi32, #tpu.memory_space<vmem>>) semaphore(%arg8 : memref<!tpu.dma_semaphore, #tpu.memory_space<semaphore_mem>>)
    %dma_wait3A = arith.constant 0 : i32
    %dma_wait3A_60 = arith.constant 0 : i32
    %dma_wait3A_61 = arith.constant 0 : i32
    %dma_wait3A_62 = tpu.memref_slice %arg6[%dma_wait3A, %dma_wait3A_60, %dma_wait3A_61] : memref<2x16x2048xf32, #tpu.memory_space<vmem>> -> memref<1x16x2048xf32, #tpu.memory_space<vmem>>
    %dma_wait3A_63 = tpu.memref_squeeze %dma_wait3A_62 : memref<1x16x2048xf32, #tpu.memory_space<vmem>> -> memref<16x2048xf32, #tpu.memory_space<vmem>>
    %dma_wait3A_64 = arith.constant 0 : i32
    %dma_wait3A_65 = tpu.memref_slice %arg5[%dma_wait3A_64] : memref<128xi32, #tpu.memory_space<vmem>> -> memref<16xi32, #tpu.memory_space<vmem>>
    %dma_wait3A_66 = arith.constant 0 : i32
    %dma_wait3A_67 = arith.constant 0 : i32
    %dma_wait3A_68 = tpu.memref_slice %arg2[%select_n3A, %dma_wait3A_66, %dma_wait3A_67] : memref<4x2048x2048xf32, #tpu.memory_space<hbm>> -> memref<1x2048x2048xf32, #tpu.memory_space<hbm>>
    %dma_wait3A_69 = tpu.memref_squeeze %dma_wait3A_68 : memref<1x2048x2048xf32, #tpu.memory_space<hbm>> -> memref<2048x2048xf32, #tpu.memory_space<hbm>>
    %dma_wait3A_70 = arith.constant 0 : i32
    %dma_wait3A_71 = arith.constant 0 : i32
    %dma_wait3A_72 = tpu.memref_slice %dma_wait3A_69[%dma_wait3A_70, %dma_wait3A_71] : memref<2048x2048xf32, #tpu.memory_space<hbm>> -> memref<2048x2048xf32, #tpu.memory_space<hbm>>
    tpu.wait_indirect_dma semaphore(%arg7 : memref<!tpu.dma_semaphore, #tpu.memory_space<semaphore_mem>>) src(%dma_wait3A_72 : memref<2048x2048xf32, #tpu.memory_space<hbm>>) dst(%dma_wait3A_63 : memref<16x2048xf32, #tpu.memory_space<vmem>>)
    %add3A_73 = arith.constant 0 : i32
    %add3A_74 = arith.addi %mul3A_32, %add3A_73 : i32
    %dma_start3A_75 = arith.constant 0 : i32
    %dma_start3A_76 = arith.constant 0 : i32
    %dma_start3A_77 = arith.constant 0 : i32
    %dma_start3A_78 = tpu.memref_slice %arg6[%dma_start3A_75, %dma_start3A_76, %dma_start3A_77] : memref<2x16x2048xf32, #tpu.memory_space<vmem>> -> memref<1x16x2048xf32, #tpu.memory_space<vmem>>
    %dma_start3A_79 = tpu.memref_squeeze %dma_start3A_78 : memref<1x16x2048xf32, #tpu.memory_space<vmem>> -> memref<16x2048xf32, #tpu.memory_space<vmem>>
    %dma_start3A_80 = arith.constant 0 : i32
    %dma_start3A_81 = arith.constant 0 : i32
    %dma_start3A_82 = tpu.memref_slice %arg4[%select_n3A, %dma_start3A_80, %dma_start3A_81] : memref<4x1024x2048xf32, #tpu.memory_space<hbm>> -> memref<1x1024x2048xf32, #tpu.memory_space<hbm>>
    %dma_start3A_83 = tpu.memref_squeeze %dma_start3A_82 : memref<1x1024x2048xf32, #tpu.memory_space<hbm>> -> memref<1024x2048xf32, #tpu.memory_space<hbm>>
    %dma_start3A_84 = arith.constant 0 : i32
    %dma_start3A_85 = tpu.memref_slice %dma_start3A_83[%add3A_74, %dma_start3A_84] : memref<1024x2048xf32, #tpu.memory_space<hbm>> -> memref<16x2048xf32, #tpu.memory_space<hbm>>
    %dma_start3A_86 = arith.constant 0 : i32
    %dma_start3A_87 = arith.constant 0 : i32
    %dma_start3A_88 = tpu.memref_slice %arg4[%select_n3A, %dma_start3A_86, %dma_start3A_87] : memref<4x1024x2048xf32, #tpu.memory_space<hbm>> -> memref<1x1024x2048xf32, #tpu.memory_space<hbm>>
    %dma_start3A_89 = tpu.memref_squeeze %dma_start3A_88 : memref<1x1024x2048xf32, #tpu.memory_space<hbm>> -> memref<1024x2048xf32, #tpu.memory_space<hbm>>
    %dma_start3A_90 = arith.constant 0 : i32
    %dma_start3A_91 = tpu.memref_slice %dma_start3A_89[%add3A_74, %dma_start3A_90] : memref<1024x2048xf32, #tpu.memory_space<hbm>> -> memref<16x2048xf32, #tpu.memory_space<hbm>>
    %dma_start3A_92 = arith.constant 0 : i32
    %dma_start3A_93 = arith.constant 0 : i32
    %dma_start3A_94 = tpu.memref_slice %arg6[%dma_start3A_75, %dma_start3A_92, %dma_start3A_93] : memref<2x16x2048xf32, #tpu.memory_space<vmem>> -> memref<1x16x2048xf32, #tpu.memory_space<vmem>>
    %dma_start3A_95 = tpu.memref_squeeze %dma_start3A_94 : memref<1x16x2048xf32, #tpu.memory_space<vmem>> -> memref<16x2048xf32, #tpu.memory_space<vmem>>
    tpu.enqueue_dma source(%dma_start3A_95 : memref<16x2048xf32, #tpu.memory_space<vmem>>) target(%dma_start3A_91 : memref<16x2048xf32, #tpu.memory_space<hbm>>) target_semaphore(%arg9 : memref<!tpu.dma_semaphore, #tpu.memory_space<semaphore_mem>>)
    %dma_wait3A_96 = arith.constant 0 : i32
    %dma_wait3A_97 = arith.constant 0 : i32
    %dma_wait3A_98 = arith.constant 0 : i32
    %dma_wait3A_99 = tpu.memref_slice %arg6[%dma_wait3A_96, %dma_wait3A_97, %dma_wait3A_98] : memref<2x16x2048xf32, #tpu.memory_space<vmem>> -> memref<1x16x2048xf32, #tpu.memory_space<vmem>>
    %dma_wait3A_100 = tpu.memref_squeeze %dma_wait3A_99 : memref<1x16x2048xf32, #tpu.memory_space<vmem>> -> memref<16x2048xf32, #tpu.memory_space<vmem>>
    %dma_wait3A_101 = arith.constant 0 : i32
    %dma_wait3A_102 = arith.constant 0 : i32
    %dma_wait3A_103 = tpu.memref_slice %arg4[%select_n3A, %dma_wait3A_101, %dma_wait3A_102] : memref<4x1024x2048xf32, #tpu.memory_space<hbm>> -> memref<1x1024x2048xf32, #tpu.memory_space<hbm>>
    %dma_wait3A_104 = tpu.memref_squeeze %dma_wait3A_103 : memref<1x1024x2048xf32, #tpu.memory_space<hbm>> -> memref<1024x2048xf32, #tpu.memory_space<hbm>>
    %dma_wait3A_105 = arith.constant 0 : i32
    %dma_wait3A_106 = tpu.memref_slice %dma_wait3A_104[%add3A_74, %dma_wait3A_105] : memref<1024x2048xf32, #tpu.memory_space<hbm>> -> memref<16x2048xf32, #tpu.memory_space<hbm>>
    %dma_wait3A_107 = arith.constant 0 : i32
    %dma_wait3A_108 = arith.constant 0 : i32
    %dma_wait3A_109 = tpu.memref_slice %arg4[%select_n3A, %dma_wait3A_107, %dma_wait3A_108] : memref<4x1024x2048xf32, #tpu.memory_space<hbm>> -> memref<1x1024x2048xf32, #tpu.memory_space<hbm>>
    %dma_wait3A_110 = tpu.memref_squeeze %dma_wait3A_109 : memref<1x1024x2048xf32, #tpu.memory_space<hbm>> -> memref<1024x2048xf32, #tpu.memory_space<hbm>>
    %dma_wait3A_111 = arith.constant 0 : i32
    %dma_wait3A_112 = tpu.memref_slice %dma_wait3A_110[%add3A_74, %dma_wait3A_111] : memref<1024x2048xf32, #tpu.memory_space<hbm>> -> memref<16x2048xf32, #tpu.memory_space<hbm>>
    %dma_wait3A_113 = arith.constant 0 : i32
    %dma_wait3A_114 = arith.constant 0 : i32
    %dma_wait3A_115 = tpu.memref_slice %arg6[%dma_wait3A_96, %dma_wait3A_113, %dma_wait3A_114] : memref<2x16x2048xf32, #tpu.memory_space<vmem>> -> memref<1x16x2048xf32, #tpu.memory_space<vmem>>
    %dma_wait3A_116 = tpu.memref_squeeze %dma_wait3A_115 : memref<1x16x2048xf32, #tpu.memory_space<vmem>> -> memref<16x2048xf32, #tpu.memory_space<vmem>>
    tpu.wait_dma2 semaphore(%arg9 : memref<!tpu.dma_semaphore, #tpu.memory_space<semaphore_mem>>) src(%dma_wait3A_116 : memref<16x2048xf32, #tpu.memory_space<vmem>>) dst(%dma_wait3A_112 : memref<16x2048xf32, #tpu.memory_space<hbm>>)
    %dma_start3A_117 = arith.constant 0 : i32
    %dma_start3A_118 = arith.constant 0 : i32
    %dma_start3A_119 = arith.constant 0 : i32
    %dma_start3A_120 = tpu.memref_slice %arg6[%dma_start3A_117, %dma_start3A_118, %dma_start3A_119] : memref<2x16x2048xf32, #tpu.memory_space<vmem>> -> memref<1x16x2048xf32, #tpu.memory_space<vmem>>
    %dma_start3A_121 = tpu.memref_squeeze %dma_start3A_120 : memref<1x16x2048xf32, #tpu.memory_space<vmem>> -> memref<16x2048xf32, #tpu.memory_space<vmem>>
    %dma_start3A_122 = arith.constant 32 : i32
    %dma_start3A_123 = tpu.memref_slice %arg5[%dma_start3A_122] : memref<128xi32, #tpu.memory_space<vmem>> -> memref<16xi32, #tpu.memory_space<vmem>>
    %dma_start3A_124 = arith.constant 0 : i32
    %dma_start3A_125 = arith.constant 0 : i32
    %dma_start3A_126 = tpu.memref_slice %arg2[%select_n3A, %dma_start3A_124, %dma_start3A_125] : memref<4x2048x2048xf32, #tpu.memory_space<hbm>> -> memref<1x2048x2048xf32, #tpu.memory_space<hbm>>
    %dma_start3A_127 = tpu.memref_squeeze %dma_start3A_126 : memref<1x2048x2048xf32, #tpu.memory_space<hbm>> -> memref<2048x2048xf32, #tpu.memory_space<hbm>>
    %dma_start3A_128 = arith.constant 0 : i32
    %dma_start3A_129 = arith.constant 0 : i32
    %dma_start3A_130 = tpu.memref_slice %dma_start3A_127[%dma_start3A_128, %dma_start3A_129] : memref<2048x2048xf32, #tpu.memory_space<hbm>> -> memref<2048x2048xf32, #tpu.memory_space<hbm>>
    tpu.enqueue_indirect_dma source(%dma_start3A_130 : memref<2048x2048xf32, #tpu.memory_space<hbm>>) target(%dma_start3A_121 : memref<16x2048xf32, #tpu.memory_space<vmem>>) offsets(%dma_start3A_123 : memref<16xi32, #tpu.memory_space<vmem>>) semaphore(%arg7 : memref<!tpu.dma_semaphore, #tpu.memory_space<semaphore_mem>>)
    %dma_wait3A_131 = arith.constant 1 : i32
    %dma_wait3A_132 = arith.constant 0 : i32
    %dma_wait3A_133 = arith.constant 0 : i32
    %dma_wait3A_134 = tpu.memref_slice %arg6[%dma_wait3A_131, %dma_wait3A_132, %dma_wait3A_133] : memref<2x16x2048xf32, #tpu.memory_space<vmem>> -> memref<1x16x2048xf32, #tpu.memory_space<vmem>>
    %dma_wait3A_135 = tpu.memref_squeeze %dma_wait3A_134 : memref<1x16x2048xf32, #tpu.memory_space<vmem>> -> memref<16x2048xf32, #tpu.memory_space<vmem>>
    %dma_wait3A_136 = arith.constant 16 : i32
    %dma_wait3A_137 = tpu.memref_slice %arg5[%dma_wait3A_136] : memref<128xi32, #tpu.memory_space<vmem>> -> memref<16xi32, #tpu.memory_space<vmem>>
    %dma_wait3A_138 = arith.constant 0 : i32
    %dma_wait3A_139 = arith.constant 0 : i32
    %dma_wait3A_140 = tpu.memref_slice %arg2[%select_n3A, %dma_wait3A_138, %dma_wait3A_139] : memref<4x2048x2048xf32, #tpu.memory_space<hbm>> -> memref<1x2048x2048xf32, #tpu.memory_space<hbm>>
    %dma_wait3A_141 = tpu.memref_squeeze %dma_wait3A_140 : memref<1x2048x2048xf32, #tpu.memory_space<hbm>> -> memref<2048x2048xf32, #tpu.memory_space<hbm>>
    %dma_wait3A_142 = arith.constant 0 : i32
    %dma_wait3A_143 = arith.constant 0 : i32
    %dma_wait3A_144 = tpu.memref_slice %dma_wait3A_141[%dma_wait3A_142, %dma_wait3A_143] : memref<2048x2048xf32, #tpu.memory_space<hbm>> -> memref<2048x2048xf32, #tpu.memory_space<hbm>>
    tpu.wait_indirect_dma semaphore(%arg8 : memref<!tpu.dma_semaphore, #tpu.memory_space<semaphore_mem>>) src(%dma_wait3A_144 : memref<2048x2048xf32, #tpu.memory_space<hbm>>) dst(%dma_wait3A_135 : memref<16x2048xf32, #tpu.memory_space<vmem>>)
    %add3A_145 = arith.constant 16 : i32
    %add3A_146 = arith.addi %mul3A_32, %add3A_145 : i32
    %dma_start3A_147 = arith.constant 1 : i32
    %dma_start3A_148 = arith.constant 0 : i32
    %dma_start3A_149 = arith.constant 0 : i32
    %dma_start3A_150 = tpu.memref_slice %arg6[%dma_start3A_147, %dma_start3A_148, %dma_start3A_149] : memref<2x16x2048xf32, #tpu.memory_space<vmem>> -> memref<1x16x2048xf32, #tpu.memory_space<vmem>>
    %dma_start3A_151 = tpu.memref_squeeze %dma_start3A_150 : memref<1x16x2048xf32, #tpu.memory_space<vmem>> -> memref<16x2048xf32, #tpu.memory_space<vmem>>
    %dma_start3A_152 = arith.constant 0 : i32
    %dma_start3A_153 = arith.constant 0 : i32
    %dma_start3A_154 = tpu.memref_slice %arg4[%select_n3A, %dma_start3A_152, %dma_start3A_153] : memref<4x1024x2048xf32, #tpu.memory_space<hbm>> -> memref<1x1024x2048xf32, #tpu.memory_space<hbm>>
    %dma_start3A_155 = tpu.memref_squeeze %dma_start3A_154 : memref<1x1024x2048xf32, #tpu.memory_space<hbm>> -> memref<1024x2048xf32, #tpu.memory_space<hbm>>
    %dma_start3A_156 = arith.constant 0 : i32
    %dma_start3A_157 = tpu.memref_slice %dma_start3A_155[%add3A_146, %dma_start3A_156] : memref<1024x2048xf32, #tpu.memory_space<hbm>> -> memref<16x2048xf32, #tpu.memory_space<hbm>>
    %dma_start3A_158 = arith.constant 0 : i32
    %dma_start3A_159 = arith.constant 0 : i32
    %dma_start3A_160 = tpu.memref_slice %arg4[%select_n3A, %dma_start3A_158, %dma_start3A_159] : memref<4x1024x2048xf32, #tpu.memory_space<hbm>> -> memref<1x1024x2048xf32, #tpu.memory_space<hbm>>
    %dma_start3A_161 = tpu.memref_squeeze %dma_start3A_160 : memref<1x1024x2048xf32, #tpu.memory_space<hbm>> -> memref<1024x2048xf32, #tpu.memory_space<hbm>>
    %dma_start3A_162 = arith.constant 0 : i32
    %dma_start3A_163 = tpu.memref_slice %dma_start3A_161[%add3A_146, %dma_start3A_162] : memref<1024x2048xf32, #tpu.memory_space<hbm>> -> memref<16x2048xf32, #tpu.memory_space<hbm>>
    %dma_start3A_164 = arith.constant 0 : i32
    %dma_start3A_165 = arith.constant 0 : i32
    %dma_start3A_166 = tpu.memref_slice %arg6[%dma_start3A_147, %dma_start3A_164, %dma_start3A_165] : memref<2x16x2048xf32, #tpu.memory_space<vmem>> -> memref<1x16x2048xf32, #tpu.memory_space<vmem>>
    %dma_start3A_167 = tpu.memref_squeeze %dma_start3A_166 : memref<1x16x2048xf32, #tpu.memory_space<vmem>> -> memref<16x2048xf32, #tpu.memory_space<vmem>>
    tpu.enqueue_dma source(%dma_start3A_167 : memref<16x2048xf32, #tpu.memory_space<vmem>>) target(%dma_start3A_163 : memref<16x2048xf32, #tpu.memory_space<hbm>>) target_semaphore(%arg10 : memref<!tpu.dma_semaphore, #tpu.memory_space<semaphore_mem>>)
    %dma_wait3A_168 = arith.constant 1 : i32
    %dma_wait3A_169 = arith.constant 0 : i32
    %dma_wait3A_170 = arith.constant 0 : i32
    %dma_wait3A_171 = tpu.memref_slice %arg6[%dma_wait3A_168, %dma_wait3A_169, %dma_wait3A_170] : memref<2x16x2048xf32, #tpu.memory_space<vmem>> -> memref<1x16x2048xf32, #tpu.memory_space<vmem>>
    %dma_wait3A_172 = tpu.memref_squeeze %dma_wait3A_171 : memref<1x16x2048xf32, #tpu.memory_space<vmem>> -> memref<16x2048xf32, #tpu.memory_space<vmem>>
    %dma_wait3A_173 = arith.constant 0 : i32
    %dma_wait3A_174 = arith.constant 0 : i32
    %dma_wait3A_175 = tpu.memref_slice %arg4[%select_n3A, %dma_wait3A_173, %dma_wait3A_174] : memref<4x1024x2048xf32, #tpu.memory_space<hbm>> -> memref<1x1024x2048xf32, #tpu.memory_space<hbm>>
    %dma_wait3A_176 = tpu.memref_squeeze %dma_wait3A_175 : memref<1x1024x2048xf32, #tpu.memory_space<hbm>> -> memref<1024x2048xf32, #tpu.memory_space<hbm>>
    %dma_wait3A_177 = arith.constant 0 : i32
    %dma_wait3A_178 = tpu.memref_slice %dma_wait3A_176[%add3A_146, %dma_wait3A_177] : memref<1024x2048xf32, #tpu.memory_space<hbm>> -> memref<16x2048xf32, #tpu.memory_space<hbm>>
    %dma_wait3A_179 = arith.constant 0 : i32
    %dma_wait3A_180 = arith.constant 0 : i32
    %dma_wait3A_181 = tpu.memref_slice %arg4[%select_n3A, %dma_wait3A_179, %dma_wait3A_180] : memref<4x1024x2048xf32, #tpu.memory_space<hbm>> -> memref<1x1024x2048xf32, #tpu.memory_space<hbm>>
    %dma_wait3A_182 = tpu.memref_squeeze %dma_wait3A_181 : memref<1x1024x2048xf32, #tpu.memory_space<hbm>> -> memref<1024x2048xf32, #tpu.memory_space<hbm>>
    %dma_wait3A_183 = arith.constant 0 : i32
    %dma_wait3A_184 = tpu.memref_slice %dma_wait3A_182[%add3A_146, %dma_wait3A_183] : memref<1024x2048xf32, #tpu.memory_space<hbm>> -> memref<16x2048xf32, #tpu.memory_space<hbm>>
    %dma_wait3A_185 = arith.constant 0 : i32
    %dma_wait3A_186 = arith.constant 0 : i32
    %dma_wait3A_187 = tpu.memref_slice %arg6[%dma_wait3A_168, %dma_wait3A_185, %dma_wait3A_186] : memref<2x16x2048xf32, #tpu.memory_space<vmem>> -> memref<1x16x2048xf32, #tpu.memory_space<vmem>>
    %dma_wait3A_188 = tpu.memref_squeeze %dma_wait3A_187 : memref<1x16x2048xf32, #tpu.memory_space<vmem>> -> memref<16x2048xf32, #tpu.memory_space<vmem>>
    tpu.wait_dma2 semaphore(%arg10 : memref<!tpu.dma_semaphore, #tpu.memory_space<semaphore_mem>>) src(%dma_wait3A_188 : memref<16x2048xf32, #tpu.memory_space<vmem>>) dst(%dma_wait3A_184 : memref<16x2048xf32, #tpu.memory_space<hbm>>)
    %dma_start3A_189 = arith.constant 1 : i32
    %dma_start3A_190 = arith.constant 0 : i32
    %dma_start3A_191 = arith.constant 0 : i32
    %dma_start3A_192 = tpu.memref_slice %arg6[%dma_start3A_189, %dma_start3A_190, %dma_start3A_191] : memref<2x16x2048xf32, #tpu.memory_space<vmem>> -> memref<1x16x2048xf32, #tpu.memory_space<vmem>>
    %dma_start3A_193 = tpu.memref_squeeze %dma_start3A_192 : memref<1x16x2048xf32, #tpu.memory_space<vmem>> -> memref<16x2048xf32, #tpu.memory_space<vmem>>
    %dma_start3A_194 = arith.constant 48 : i32
    %dma_start3A_195 = tpu.memref_slice %arg5[%dma_start3A_194] : memref<128xi32, #tpu.memory_space<vmem>> -> memref<16xi32, #tpu.memory_space<vmem>>
    %dma_start3A_196 = arith.constant 0 : i32
    %dma_start3A_197 = arith.constant 0 : i32
    %dma_start3A_198 = tpu.memref_slice %arg2[%select_n3A, %dma_start3A_196, %dma_start3A_197] : memref<4x2048x2048xf32, #tpu.memory_space<hbm>> -> memref<1x2048x2048xf32, #tpu.memory_space<hbm>>
    %dma_start3A_199 = tpu.memref_squeeze %dma_start3A_198 : memref<1x2048x2048xf32, #tpu.memory_space<hbm>> -> memref<2048x2048xf32, #tpu.memory_space<hbm>>
    %dma_start3A_200 = arith.constant 0 : i32
    %dma_start3A_201 = arith.constant 0 : i32
    %dma_start3A_202 = tpu.memref_slice %dma_start3A_199[%dma_start3A_200, %dma_start3A_201] : memref<2048x2048xf32, #tpu.memory_space<hbm>> -> memref<2048x2048xf32, #tpu.memory_space<hbm>>
    tpu.enqueue_indirect_dma source(%dma_start3A_202 : memref<2048x2048xf32, #tpu.memory_space<hbm>>) target(%dma_start3A_193 : memref<16x2048xf32, #tpu.memory_space<vmem>>) offsets(%dma_start3A_195 : memref<16xi32, #tpu.memory_space<vmem>>) semaphore(%arg8 : memref<!tpu.dma_semaphore, #tpu.memory_space<semaphore_mem>>)
    %dma_wait3A_203 = arith.constant 0 : i32
    %dma_wait3A_204 = arith.constant 0 : i32
    %dma_wait3A_205 = arith.constant 0 : i32
    %dma_wait3A_206 = tpu.memref_slice %arg6[%dma_wait3A_203, %dma_wait3A_204, %dma_wait3A_205] : memref<2x16x2048xf32, #tpu.memory_space<vmem>> -> memref<1x16x2048xf32, #tpu.memory_space<vmem>>
    %dma_wait3A_207 = tpu.memref_squeeze %dma_wait3A_206 : memref<1x16x2048xf32, #tpu.memory_space<vmem>> -> memref<16x2048xf32, #tpu.memory_space<vmem>>
    %dma_wait3A_208 = arith.constant 32 : i32
    %dma_wait3A_209 = tpu.memref_slice %arg5[%dma_wait3A_208] : memref<128xi32, #tpu.memory_space<vmem>> -> memref<16xi32, #tpu.memory_space<vmem>>
    %dma_wait3A_210 = arith.constant 0 : i32
    %dma_wait3A_211 = arith.constant 0 : i32
    %dma_wait3A_212 = tpu.memref_slice %arg2[%select_n3A, %dma_wait3A_210, %dma_wait3A_211] : memref<4x2048x2048xf32, #tpu.memory_space<hbm>> -> memref<1x2048x2048xf32, #tpu.memory_space<hbm>>
    %dma_wait3A_213 = tpu.memref_squeeze %dma_wait3A_212 : memref<1x2048x2048xf32, #tpu.memory_space<hbm>> -> memref<2048x2048xf32, #tpu.memory_space<hbm>>
    %dma_wait3A_214 = arith.constant 0 : i32
    %dma_wait3A_215 = arith.constant 0 : i32
    %dma_wait3A_216 = tpu.memref_slice %dma_wait3A_213[%dma_wait3A_214, %dma_wait3A_215] : memref<2048x2048xf32, #tpu.memory_space<hbm>> -> memref<2048x2048xf32, #tpu.memory_space<hbm>>
    tpu.wait_indirect_dma semaphore(%arg7 : memref<!tpu.dma_semaphore, #tpu.memory_space<semaphore_mem>>) src(%dma_wait3A_216 : memref<2048x2048xf32, #tpu.memory_space<hbm>>) dst(%dma_wait3A_207 : memref<16x2048xf32, #tpu.memory_space<vmem>>)
    %add3A_217 = arith.constant 32 : i32
    %add3A_218 = arith.addi %mul3A_32, %add3A_217 : i32
    %dma_start3A_219 = arith.constant 0 : i32
    %dma_start3A_220 = arith.constant 0 : i32
    %dma_start3A_221 = arith.constant 0 : i32
    %dma_start3A_222 = tpu.memref_slice %arg6[%dma_start3A_219, %dma_start3A_220, %dma_start3A_221] : memref<2x16x2048xf32, #tpu.memory_space<vmem>> -> memref<1x16x2048xf32, #tpu.memory_space<vmem>>
    %dma_start3A_223 = tpu.memref_squeeze %dma_start3A_222 : memref<1x16x2048xf32, #tpu.memory_space<vmem>> -> memref<16x2048xf32, #tpu.memory_space<vmem>>
    %dma_start3A_224 = arith.constant 0 : i32
    %dma_start3A_225 = arith.constant 0 : i32
    %dma_start3A_226 = tpu.memref_slice %arg4[%select_n3A, %dma_start3A_224, %dma_start3A_225] : memref<4x1024x2048xf32, #tpu.memory_space<hbm>> -> memref<1x1024x2048xf32, #tpu.memory_space<hbm>>
    %dma_start3A_227 = tpu.memref_squeeze %dma_start3A_226 : memref<1x1024x2048xf32, #tpu.memory_space<hbm>> -> memref<1024x2048xf32, #tpu.memory_space<hbm>>
    %dma_start3A_228 = arith.constant 0 : i32
    %dma_start3A_229 = tpu.memref_slice %dma_start3A_227[%add3A_218, %dma_start3A_228] : memref<1024x2048xf32, #tpu.memory_space<hbm>> -> memref<16x2048xf32, #tpu.memory_space<hbm>>
    %dma_start3A_230 = arith.constant 0 : i32
    %dma_start3A_231 = arith.constant 0 : i32
    %dma_start3A_232 = tpu.memref_slice %arg4[%select_n3A, %dma_start3A_230, %dma_start3A_231] : memref<4x1024x2048xf32, #tpu.memory_space<hbm>> -> memref<1x1024x2048xf32, #tpu.memory_space<hbm>>
    %dma_start3A_233 = tpu.memref_squeeze %dma_start3A_232 : memref<1x1024x2048xf32, #tpu.memory_space<hbm>> -> memref<1024x2048xf32, #tpu.memory_space<hbm>>
    %dma_start3A_234 = arith.constant 0 : i32
    %dma_start3A_235 = tpu.memref_slice %dma_start3A_233[%add3A_218, %dma_start3A_234] : memref<1024x2048xf32, #tpu.memory_space<hbm>> -> memref<16x2048xf32, #tpu.memory_space<hbm>>
    %dma_start3A_236 = arith.constant 0 : i32
    %dma_start3A_237 = arith.constant 0 : i32
    %dma_start3A_238 = tpu.memref_slice %arg6[%dma_start3A_219, %dma_start3A_236, %dma_start3A_237] : memref<2x16x2048xf32, #tpu.memory_space<vmem>> -> memref<1x16x2048xf32, #tpu.memory_space<vmem>>
    %dma_start3A_239 = tpu.memref_squeeze %dma_start3A_238 : memref<1x16x2048xf32, #tpu.memory_space<vmem>> -> memref<16x2048xf32, #tpu.memory_space<vmem>>
    tpu.enqueue_dma source(%dma_start3A_239 : memref<16x2048xf32, #tpu.memory_space<vmem>>) target(%dma_start3A_235 : memref<16x2048xf32, #tpu.memory_space<hbm>>) target_semaphore(%arg9 : memref<!tpu.dma_semaphore, #tpu.memory_space<semaphore_mem>>)
    %dma_wait3A_240 = arith.constant 0 : i32
    %dma_wait3A_241 = arith.constant 0 : i32
    %dma_wait3A_242 = arith.constant 0 : i32
    %dma_wait3A_243 = tpu.memref_slice %arg6[%dma_wait3A_240, %dma_wait3A_241, %dma_wait3A_242] : memref<2x16x2048xf32, #tpu.memory_space<vmem>> -> memref<1x16x2048xf32, #tpu.memory_space<vmem>>
    %dma_wait3A_244 = tpu.memref_squeeze %dma_wait3A_243 : memref<1x16x2048xf32, #tpu.memory_space<vmem>> -> memref<16x2048xf32, #tpu.memory_space<vmem>>
    %dma_wait3A_245 = arith.constant 0 : i32
    %dma_wait3A_246 = arith.constant 0 : i32
    %dma_wait3A_247 = tpu.memref_slice %arg4[%select_n3A, %dma_wait3A_245, %dma_wait3A_246] : memref<4x1024x2048xf32, #tpu.memory_space<hbm>> -> memref<1x1024x2048xf32, #tpu.memory_space<hbm>>
    %dma_wait3A_248 = tpu.memref_squeeze %dma_wait3A_247 : memref<1x1024x2048xf32, #tpu.memory_space<hbm>> -> memref<1024x2048xf32, #tpu.memory_space<hbm>>
    %dma_wait3A_249 = arith.constant 0 : i32
    %dma_wait3A_250 = tpu.memref_slice %dma_wait3A_248[%add3A_218, %dma_wait3A_249] : memref<1024x2048xf32, #tpu.memory_space<hbm>> -> memref<16x2048xf32, #tpu.memory_space<hbm>>
    %dma_wait3A_251 = arith.constant 0 : i32
    %dma_wait3A_252 = arith.constant 0 : i32
    %dma_wait3A_253 = tpu.memref_slice %arg4[%select_n3A, %dma_wait3A_251, %dma_wait3A_252] : memref<4x1024x2048xf32, #tpu.memory_space<hbm>> -> memref<1x1024x2048xf32, #tpu.memory_space<hbm>>
    %dma_wait3A_254 = tpu.memref_squeeze %dma_wait3A_253 : memref<1x1024x2048xf32, #tpu.memory_space<hbm>> -> memref<1024x2048xf32, #tpu.memory_space<hbm>>
    %dma_wait3A_255 = arith.constant 0 : i32
    %dma_wait3A_256 = tpu.memref_slice %dma_wait3A_254[%add3A_218, %dma_wait3A_255] : memref<1024x2048xf32, #tpu.memory_space<hbm>> -> memref<16x2048xf32, #tpu.memory_space<hbm>>
    %dma_wait3A_257 = arith.constant 0 : i32
    %dma_wait3A_258 = arith.constant 0 : i32
    %dma_wait3A_259 = tpu.memref_slice %arg6[%dma_wait3A_240, %dma_wait3A_257, %dma_wait3A_258] : memref<2x16x2048xf32, #tpu.memory_space<vmem>> -> memref<1x16x2048xf32, #tpu.memory_space<vmem>>
    %dma_wait3A_260 = tpu.memref_squeeze %dma_wait3A_259 : memref<1x16x2048xf32, #tpu.memory_space<vmem>> -> memref<16x2048xf32, #tpu.memory_space<vmem>>
    tpu.wait_dma2 semaphore(%arg9 : memref<!tpu.dma_semaphore, #tpu.memory_space<semaphore_mem>>) src(%dma_wait3A_260 : memref<16x2048xf32, #tpu.memory_space<vmem>>) dst(%dma_wait3A_256 : memref<16x2048xf32, #tpu.memory_space<hbm>>)
    %dma_start3A_261 = arith.constant 0 : i32
    %dma_start3A_262 = arith.constant 0 : i32
    %dma_start3A_263 = arith.constant 0 : i32
    %dma_start3A_264 = tpu.memref_slice %arg6[%dma_start3A_261, %dma_start3A_262, %dma_start3A_263] : memref<2x16x2048xf32, #tpu.memory_space<vmem>> -> memref<1x16x2048xf32, #tpu.memory_space<vmem>>
    %dma_start3A_265 = tpu.memref_squeeze %dma_start3A_264 : memref<1x16x2048xf32, #tpu.memory_space<vmem>> -> memref<16x2048xf32, #tpu.memory_space<vmem>>
    %dma_start3A_266 = arith.constant 64 : i32
    %dma_start3A_267 = tpu.memref_slice %arg5[%dma_start3A_266] : memref<128xi32, #tpu.memory_space<vmem>> -> memref<16xi32, #tpu.memory_space<vmem>>
    %dma_start3A_268 = arith.constant 0 : i32
    %dma_start3A_269 = arith.constant 0 : i32
    %dma_start3A_270 = tpu.memref_slice %arg2[%select_n3A, %dma_start3A_268, %dma_start3A_269] : memref<4x2048x2048xf32, #tpu.memory_space<hbm>> -> memref<1x2048x2048xf32, #tpu.memory_space<hbm>>
    %dma_start3A_271 = tpu.memref_squeeze %dma_start3A_270 : memref<1x2048x2048xf32, #tpu.memory_space<hbm>> -> memref<2048x2048xf32, #tpu.memory_space<hbm>>
    %dma_start3A_272 = arith.constant 0 : i32
    %dma_start3A_273 = arith.constant 0 : i32
    %dma_start3A_274 = tpu.memref_slice %dma_start3A_271[%dma_start3A_272, %dma_start3A_273] : memref<2048x2048xf32, #tpu.memory_space<hbm>> -> memref<2048x2048xf32, #tpu.memory_space<hbm>>
    tpu.enqueue_indirect_dma source(%dma_start3A_274 : memref<2048x2048xf32, #tpu.memory_space<hbm>>) target(%dma_start3A_265 : memref<16x2048xf32, #tpu.memory_space<vmem>>) offsets(%dma_start3A_267 : memref<16xi32, #tpu.memory_space<vmem>>) semaphore(%arg7 : memref<!tpu.dma_semaphore, #tpu.memory_space<semaphore_mem>>)
    %dma_wait3A_275 = arith.constant 1 : i32
    %dma_wait3A_276 = arith.constant 0 : i32
    %dma_wait3A_277 = arith.constant 0 : i32
    %dma_wait3A_278 = tpu.memref_slice %arg6[%dma_wait3A_275, %dma_wait3A_276, %dma_wait3A_277] : memref<2x16x2048xf32, #tpu.memory_space<vmem>> -> memref<1x16x2048xf32, #tpu.memory_space<vmem>>
    %dma_wait3A_279 = tpu.memref_squeeze %dma_wait3A_278 : memref<1x16x2048xf32, #tpu.memory_space<vmem>> -> memref<16x2048xf32, #tpu.memory_space<vmem>>
    %dma_wait3A_280 = arith.constant 48 : i32
    %dma_wait3A_281 = tpu.memref_slice %arg5[%dma_wait3A_280] : memref<128xi32, #tpu.memory_space<vmem>> -> memref<16xi32, #tpu.memory_space<vmem>>
    %dma_wait3A_282 = arith.constant 0 : i32
    %dma_wait3A_283 = arith.constant 0 : i32
    %dma_wait3A_284 = tpu.memref_slice %arg2[%select_n3A, %dma_wait3A_282, %dma_wait3A_283] : memref<4x2048x2048xf32, #tpu.memory_space<hbm>> -> memref<1x2048x2048xf32, #tpu.memory_space<hbm>>
    %dma_wait3A_285 = tpu.memref_squeeze %dma_wait3A_284 : memref<1x2048x2048xf32, #tpu.memory_space<hbm>> -> memref<2048x2048xf32, #tpu.memory_space<hbm>>
    %dma_wait3A_286 = arith.constant 0 : i32
    %dma_wait3A_287 = arith.constant 0 : i32
    %dma_wait3A_288 = tpu.memref_slice %dma_wait3A_285[%dma_wait3A_286, %dma_wait3A_287] : memref<2048x2048xf32, #tpu.memory_space<hbm>> -> memref<2048x2048xf32, #tpu.memory_space<hbm>>
    tpu.wait_indirect_dma semaphore(%arg8 : memref<!tpu.dma_semaphore, #tpu.memory_space<semaphore_mem>>) src(%dma_wait3A_288 : memref<2048x2048xf32, #tpu.memory_space<hbm>>) dst(%dma_wait3A_279 : memref<16x2048xf32, #tpu.memory_space<vmem>>)
    %add3A_289 = arith.constant 48 : i32
    %add3A_290 = arith.addi %mul3A_32, %add3A_289 : i32
    %dma_start3A_291 = arith.constant 1 : i32
    %dma_start3A_292 = arith.constant 0 : i32
    %dma_start3A_293 = arith.constant 0 : i32
    %dma_start3A_294 = tpu.memref_slice %arg6[%dma_start3A_291, %dma_start3A_292, %dma_start3A_293] : memref<2x16x2048xf32, #tpu.memory_space<vmem>> -> memref<1x16x2048xf32, #tpu.memory_space<vmem>>
    %dma_start3A_295 = tpu.memref_squeeze %dma_start3A_294 : memref<1x16x2048xf32, #tpu.memory_space<vmem>> -> memref<16x2048xf32, #tpu.memory_space<vmem>>
    %dma_start3A_296 = arith.constant 0 : i32
    %dma_start3A_297 = arith.constant 0 : i32
    %dma_start3A_298 = tpu.memref_slice %arg4[%select_n3A, %dma_start3A_296, %dma_start3A_297] : memref<4x1024x2048xf32, #tpu.memory_space<hbm>> -> memref<1x1024x2048xf32, #tpu.memory_space<hbm>>
    %dma_start3A_299 = tpu.memref_squeeze %dma_start3A_298 : memref<1x1024x2048xf32, #tpu.memory_space<hbm>> -> memref<1024x2048xf32, #tpu.memory_space<hbm>>
    %dma_start3A_300 = arith.constant 0 : i32
    %dma_start3A_301 = tpu.memref_slice %dma_start3A_299[%add3A_290, %dma_start3A_300] : memref<1024x2048xf32, #tpu.memory_space<hbm>> -> memref<16x2048xf32, #tpu.memory_space<hbm>>
    %dma_start3A_302 = arith.constant 0 : i32
    %dma_start3A_303 = arith.constant 0 : i32
    %dma_start3A_304 = tpu.memref_slice %arg4[%select_n3A, %dma_start3A_302, %dma_start3A_303] : memref<4x1024x2048xf32, #tpu.memory_space<hbm>> -> memref<1x1024x2048xf32, #tpu.memory_space<hbm>>
    %dma_start3A_305 = tpu.memref_squeeze %dma_start3A_304 : memref<1x1024x2048xf32, #tpu.memory_space<hbm>> -> memref<1024x2048xf32, #tpu.memory_space<hbm>>
    %dma_start3A_306 = arith.constant 0 : i32
    %dma_start3A_307 = tpu.memref_slice %dma_start3A_305[%add3A_290, %dma_start3A_306] : memref<1024x2048xf32, #tpu.memory_space<hbm>> -> memref<16x2048xf32, #tpu.memory_space<hbm>>
    %dma_start3A_308 = arith.constant 0 : i32
    %dma_start3A_309 = arith.constant 0 : i32
    %dma_start3A_310 = tpu.memref_slice %arg6[%dma_start3A_291, %dma_start3A_308, %dma_start3A_309] : memref<2x16x2048xf32, #tpu.memory_space<vmem>> -> memref<1x16x2048xf32, #tpu.memory_space<vmem>>
    %dma_start3A_311 = tpu.memref_squeeze %dma_start3A_310 : memref<1x16x2048xf32, #tpu.memory_space<vmem>> -> memref<16x2048xf32, #tpu.memory_space<vmem>>
    tpu.enqueue_dma source(%dma_start3A_311 : memref<16x2048xf32, #tpu.memory_space<vmem>>) target(%dma_start3A_307 : memref<16x2048xf32, #tpu.memory_space<hbm>>) target_semaphore(%arg10 : memref<!tpu.dma_semaphore, #tpu.memory_space<semaphore_mem>>)
    %dma_wait3A_312 = arith.constant 1 : i32
    %dma_wait3A_313 = arith.constant 0 : i32
    %dma_wait3A_314 = arith.constant 0 : i32
    %dma_wait3A_315 = tpu.memref_slice %arg6[%dma_wait3A_312, %dma_wait3A_313, %dma_wait3A_314] : memref<2x16x2048xf32, #tpu.memory_space<vmem>> -> memref<1x16x2048xf32, #tpu.memory_space<vmem>>
    %dma_wait3A_316 = tpu.memref_squeeze %dma_wait3A_315 : memref<1x16x2048xf32, #tpu.memory_space<vmem>> -> memref<16x2048xf32, #tpu.memory_space<vmem>>
    %dma_wait3A_317 = arith.constant 0 : i32
    %dma_wait3A_318 = arith.constant 0 : i32
    %dma_wait3A_319 = tpu.memref_slice %arg4[%select_n3A, %dma_wait3A_317, %dma_wait3A_318] : memref<4x1024x2048xf32, #tpu.memory_space<hbm>> -> memref<1x1024x2048xf32, #tpu.memory_space<hbm>>
    %dma_wait3A_320 = tpu.memref_squeeze %dma_wait3A_319 : memref<1x1024x2048xf32, #tpu.memory_space<hbm>> -> memref<1024x2048xf32, #tpu.memory_space<hbm>>
    %dma_wait3A_321 = arith.constant 0 : i32
    %dma_wait3A_322 = tpu.memref_slice %dma_wait3A_320[%add3A_290, %dma_wait3A_321] : memref<1024x2048xf32, #tpu.memory_space<hbm>> -> memref<16x2048xf32, #tpu.memory_space<hbm>>
    %dma_wait3A_323 = arith.constant 0 : i32
    %dma_wait3A_324 = arith.constant 0 : i32
    %dma_wait3A_325 = tpu.memref_slice %arg4[%select_n3A, %dma_wait3A_323, %dma_wait3A_324] : memref<4x1024x2048xf32, #tpu.memory_space<hbm>> -> memref<1x1024x2048xf32, #tpu.memory_space<hbm>>
    %dma_wait3A_326 = tpu.memref_squeeze %dma_wait3A_325 : memref<1x1024x2048xf32, #tpu.memory_space<hbm>> -> memref<1024x2048xf32, #tpu.memory_space<hbm>>
    %dma_wait3A_327 = arith.constant 0 : i32
    %dma_wait3A_328 = tpu.memref_slice %dma_wait3A_326[%add3A_290, %dma_wait3A_327] : memref<1024x2048xf32, #tpu.memory_space<hbm>> -> memref<16x2048xf32, #tpu.memory_space<hbm>>
    %dma_wait3A_329 = arith.constant 0 : i32
    %dma_wait3A_330 = arith.constant 0 : i32
    %dma_wait3A_331 = tpu.memref_slice %arg6[%dma_wait3A_312, %dma_wait3A_329, %dma_wait3A_330] : memref<2x16x2048xf32, #tpu.memory_space<vmem>> -> memref<1x16x2048xf32, #tpu.memory_space<vmem>>
    %dma_wait3A_332 = tpu.memref_squeeze %dma_wait3A_331 : memref<1x16x2048xf32, #tpu.memory_space<vmem>> -> memref<16x2048xf32, #tpu.memory_space<vmem>>
    tpu.wait_dma2 semaphore(%arg10 : memref<!tpu.dma_semaphore, #tpu.memory_space<semaphore_mem>>) src(%dma_wait3A_332 : memref<16x2048xf32, #tpu.memory_space<vmem>>) dst(%dma_wait3A_328 : memref<16x2048xf32, #tpu.memory_space<hbm>>)
    %dma_start3A_333 = arith.constant 1 : i32
    %dma_start3A_334 = arith.constant 0 : i32
    %dma_start3A_335 = arith.constant 0 : i32
    %dma_start3A_336 = tpu.memref_slice %arg6[%dma_start3A_333, %dma_start3A_334, %dma_start3A_335] : memref<2x16x2048xf32, #tpu.memory_space<vmem>> -> memref<1x16x2048xf32, #tpu.memory_space<vmem>>
    %dma_start3A_337 = tpu.memref_squeeze %dma_start3A_336 : memref<1x16x2048xf32, #tpu.memory_space<vmem>> -> memref<16x2048xf32, #tpu.memory_space<vmem>>
    %dma_start3A_338 = arith.constant 80 : i32
    %dma_start3A_339 = tpu.memref_slice %arg5[%dma_start3A_338] : memref<128xi32, #tpu.memory_space<vmem>> -> memref<16xi32, #tpu.memory_space<vmem>>
    %dma_start3A_340 = arith.constant 0 : i32
    %dma_start3A_341 = arith.constant 0 : i32
    %dma_start3A_342 = tpu.memref_slice %arg2[%select_n3A, %dma_start3A_340, %dma_start3A_341] : memref<4x2048x2048xf32, #tpu.memory_space<hbm>> -> memref<1x2048x2048xf32, #tpu.memory_space<hbm>>
    %dma_start3A_343 = tpu.memref_squeeze %dma_start3A_342 : memref<1x2048x2048xf32, #tpu.memory_space<hbm>> -> memref<2048x2048xf32, #tpu.memory_space<hbm>>
    %dma_start3A_344 = arith.constant 0 : i32
    %dma_start3A_345 = arith.constant 0 : i32
    %dma_start3A_346 = tpu.memref_slice %dma_start3A_343[%dma_start3A_344, %dma_start3A_345] : memref<2048x2048xf32, #tpu.memory_space<hbm>> -> memref<2048x2048xf32, #tpu.memory_space<hbm>>
    tpu.enqueue_indirect_dma source(%dma_start3A_346 : memref<2048x2048xf32, #tpu.memory_space<hbm>>) target(%dma_start3A_337 : memref<16x2048xf32, #tpu.memory_space<vmem>>) offsets(%dma_start3A_339 : memref<16xi32, #tpu.memory_space<vmem>>) semaphore(%arg8 : memref<!tpu.dma_semaphore, #tpu.memory_space<semaphore_mem>>)
    %dma_wait3A_347 = arith.constant 0 : i32
    %dma_wait3A_348 = arith.constant 0 : i32
    %dma_wait3A_349 = arith.constant 0 : i32
    %dma_wait3A_350 = tpu.memref_slice %arg6[%dma_wait3A_347, %dma_wait3A_348, %dma_wait3A_349] : memref<2x16x2048xf32, #tpu.memory_space<vmem>> -> memref<1x16x2048xf32, #tpu.memory_space<vmem>>
    %dma_wait3A_351 = tpu.memref_squeeze %dma_wait3A_350 : memref<1x16x2048xf32, #tpu.memory_space<vmem>> -> memref<16x2048xf32, #tpu.memory_space<vmem>>
    %dma_wait3A_352 = arith.constant 64 : i32
    %dma_wait3A_353 = tpu.memref_slice %arg5[%dma_wait3A_352] : memref<128xi32, #tpu.memory_space<vmem>> -> memref<16xi32, #tpu.memory_space<vmem>>
    %dma_wait3A_354 = arith.constant 0 : i32
    %dma_wait3A_355 = arith.constant 0 : i32
    %dma_wait3A_356 = tpu.memref_slice %arg2[%select_n3A, %dma_wait3A_354, %dma_wait3A_355] : memref<4x2048x2048xf32, #tpu.memory_space<hbm>> -> memref<1x2048x2048xf32, #tpu.memory_space<hbm>>
    %dma_wait3A_357 = tpu.memref_squeeze %dma_wait3A_356 : memref<1x2048x2048xf32, #tpu.memory_space<hbm>> -> memref<2048x2048xf32, #tpu.memory_space<hbm>>
    %dma_wait3A_358 = arith.constant 0 : i32
    %dma_wait3A_359 = arith.constant 0 : i32
    %dma_wait3A_360 = tpu.memref_slice %dma_wait3A_357[%dma_wait3A_358, %dma_wait3A_359] : memref<2048x2048xf32, #tpu.memory_space<hbm>> -> memref<2048x2048xf32, #tpu.memory_space<hbm>>
    tpu.wait_indirect_dma semaphore(%arg7 : memref<!tpu.dma_semaphore, #tpu.memory_space<semaphore_mem>>) src(%dma_wait3A_360 : memref<2048x2048xf32, #tpu.memory_space<hbm>>) dst(%dma_wait3A_351 : memref<16x2048xf32, #tpu.memory_space<vmem>>)
    %add3A_361 = arith.constant 64 : i32
    %add3A_362 = arith.addi %mul3A_32, %add3A_361 : i32
    %dma_start3A_363 = arith.constant 0 : i32
    %dma_start3A_364 = arith.constant 0 : i32
    %dma_start3A_365 = arith.constant 0 : i32
    %dma_start3A_366 = tpu.memref_slice %arg6[%dma_start3A_363, %dma_start3A_364, %dma_start3A_365] : memref<2x16x2048xf32, #tpu.memory_space<vmem>> -> memref<1x16x2048xf32, #tpu.memory_space<vmem>>
    %dma_start3A_367 = tpu.memref_squeeze %dma_start3A_366 : memref<1x16x2048xf32, #tpu.memory_space<vmem>> -> memref<16x2048xf32, #tpu.memory_space<vmem>>
    %dma_start3A_368 = arith.constant 0 : i32
    %dma_start3A_369 = arith.constant 0 : i32
    %dma_start3A_370 = tpu.memref_slice %arg4[%select_n3A, %dma_start3A_368, %dma_start3A_369] : memref<4x1024x2048xf32, #tpu.memory_space<hbm>> -> memref<1x1024x2048xf32, #tpu.memory_space<hbm>>
    %dma_start3A_371 = tpu.memref_squeeze %dma_start3A_370 : memref<1x1024x2048xf32, #tpu.memory_space<hbm>> -> memref<1024x2048xf32, #tpu.memory_space<hbm>>
    %dma_start3A_372 = arith.constant 0 : i32
    %dma_start3A_373 = tpu.memref_slice %dma_start3A_371[%add3A_362, %dma_start3A_372] : memref<1024x2048xf32, #tpu.memory_space<hbm>> -> memref<16x2048xf32, #tpu.memory_space<hbm>>
    %dma_start3A_374 = arith.constant 0 : i32
    %dma_start3A_375 = arith.constant 0 : i32
    %dma_start3A_376 = tpu.memref_slice %arg4[%select_n3A, %dma_start3A_374, %dma_start3A_375] : memref<4x1024x2048xf32, #tpu.memory_space<hbm>> -> memref<1x1024x2048xf32, #tpu.memory_space<hbm>>
    %dma_start3A_377 = tpu.memref_squeeze %dma_start3A_376 : memref<1x1024x2048xf32, #tpu.memory_space<hbm>> -> memref<1024x2048xf32, #tpu.memory_space<hbm>>
    %dma_start3A_378 = arith.constant 0 : i32
    %dma_start3A_379 = tpu.memref_slice %dma_start3A_377[%add3A_362, %dma_start3A_378] : memref<1024x2048xf32, #tpu.memory_space<hbm>> -> memref<16x2048xf32, #tpu.memory_space<hbm>>
    %dma_start3A_380 = arith.constant 0 : i32
    %dma_start3A_381 = arith.constant 0 : i32
    %dma_start3A_382 = tpu.memref_slice %arg6[%dma_start3A_363, %dma_start3A_380, %dma_start3A_381] : memref<2x16x2048xf32, #tpu.memory_space<vmem>> -> memref<1x16x2048xf32, #tpu.memory_space<vmem>>
    %dma_start3A_383 = tpu.memref_squeeze %dma_start3A_382 : memref<1x16x2048xf32, #tpu.memory_space<vmem>> -> memref<16x2048xf32, #tpu.memory_space<vmem>>
    tpu.enqueue_dma source(%dma_start3A_383 : memref<16x2048xf32, #tpu.memory_space<vmem>>) target(%dma_start3A_379 : memref<16x2048xf32, #tpu.memory_space<hbm>>) target_semaphore(%arg9 : memref<!tpu.dma_semaphore, #tpu.memory_space<semaphore_mem>>)
    %dma_wait3A_384 = arith.constant 0 : i32
    %dma_wait3A_385 = arith.constant 0 : i32
    %dma_wait3A_386 = arith.constant 0 : i32
    %dma_wait3A_387 = tpu.memref_slice %arg6[%dma_wait3A_384, %dma_wait3A_385, %dma_wait3A_386] : memref<2x16x2048xf32, #tpu.memory_space<vmem>> -> memref<1x16x2048xf32, #tpu.memory_space<vmem>>
    %dma_wait3A_388 = tpu.memref_squeeze %dma_wait3A_387 : memref<1x16x2048xf32, #tpu.memory_space<vmem>> -> memref<16x2048xf32, #tpu.memory_space<vmem>>
    %dma_wait3A_389 = arith.constant 0 : i32
    %dma_wait3A_390 = arith.constant 0 : i32
    %dma_wait3A_391 = tpu.memref_slice %arg4[%select_n3A, %dma_wait3A_389, %dma_wait3A_390] : memref<4x1024x2048xf32, #tpu.memory_space<hbm>> -> memref<1x1024x2048xf32, #tpu.memory_space<hbm>>
    %dma_wait3A_392 = tpu.memref_squeeze %dma_wait3A_391 : memref<1x1024x2048xf32, #tpu.memory_space<hbm>> -> memref<1024x2048xf32, #tpu.memory_space<hbm>>
    %dma_wait3A_393 = arith.constant 0 : i32
    %dma_wait3A_394 = tpu.memref_slice %dma_wait3A_392[%add3A_362, %dma_wait3A_393] : memref<1024x2048xf32, #tpu.memory_space<hbm>> -> memref<16x2048xf32, #tpu.memory_space<hbm>>
    %dma_wait3A_395 = arith.constant 0 : i32
    %dma_wait3A_396 = arith.constant 0 : i32
    %dma_wait3A_397 = tpu.memref_slice %arg4[%select_n3A, %dma_wait3A_395, %dma_wait3A_396] : memref<4x1024x2048xf32, #tpu.memory_space<hbm>> -> memref<1x1024x2048xf32, #tpu.memory_space<hbm>>
    %dma_wait3A_398 = tpu.memref_squeeze %dma_wait3A_397 : memref<1x1024x2048xf32, #tpu.memory_space<hbm>> -> memref<1024x2048xf32, #tpu.memory_space<hbm>>
    %dma_wait3A_399 = arith.constant 0 : i32
    %dma_wait3A_400 = tpu.memref_slice %dma_wait3A_398[%add3A_362, %dma_wait3A_399] : memref<1024x2048xf32, #tpu.memory_space<hbm>> -> memref<16x2048xf32, #tpu.memory_space<hbm>>
    %dma_wait3A_401 = arith.constant 0 : i32
    %dma_wait3A_402 = arith.constant 0 : i32
    %dma_wait3A_403 = tpu.memref_slice %arg6[%dma_wait3A_384, %dma_wait3A_401, %dma_wait3A_402] : memref<2x16x2048xf32, #tpu.memory_space<vmem>> -> memref<1x16x2048xf32, #tpu.memory_space<vmem>>
    %dma_wait3A_404 = tpu.memref_squeeze %dma_wait3A_403 : memref<1x16x2048xf32, #tpu.memory_space<vmem>> -> memref<16x2048xf32, #tpu.memory_space<vmem>>
    tpu.wait_dma2 semaphore(%arg9 : memref<!tpu.dma_semaphore, #tpu.memory_space<semaphore_mem>>) src(%dma_wait3A_404 : memref<16x2048xf32, #tpu.memory_space<vmem>>) dst(%dma_wait3A_400 : memref<16x2048xf32, #tpu.memory_space<hbm>>)
    %dma_start3A_405 = arith.constant 0 : i32
    %dma_start3A_406 = arith.constant 0 : i32
    %dma_start3A_407 = arith.constant 0 : i32
    %dma_start3A_408 = tpu.memref_slice %arg6[%dma_start3A_405, %dma_start3A_406, %dma_start3A_407] : memref<2x16x2048xf32, #tpu.memory_space<vmem>> -> memref<1x16x2048xf32, #tpu.memory_space<vmem>>
    %dma_start3A_409 = tpu.memref_squeeze %dma_start3A_408 : memref<1x16x2048xf32, #tpu.memory_space<vmem>> -> memref<16x2048xf32, #tpu.memory_space<vmem>>
    %dma_start3A_410 = arith.constant 96 : i32
    %dma_start3A_411 = tpu.memref_slice %arg5[%dma_start3A_410] : memref<128xi32, #tpu.memory_space<vmem>> -> memref<16xi32, #tpu.memory_space<vmem>>
    %dma_start3A_412 = arith.constant 0 : i32
    %dma_start3A_413 = arith.constant 0 : i32
    %dma_start3A_414 = tpu.memref_slice %arg2[%select_n3A, %dma_start3A_412, %dma_start3A_413] : memref<4x2048x2048xf32, #tpu.memory_space<hbm>> -> memref<1x2048x2048xf32, #tpu.memory_space<hbm>>
    %dma_start3A_415 = tpu.memref_squeeze %dma_start3A_414 : memref<1x2048x2048xf32, #tpu.memory_space<hbm>> -> memref<2048x2048xf32, #tpu.memory_space<hbm>>
    %dma_start3A_416 = arith.constant 0 : i32
    %dma_start3A_417 = arith.constant 0 : i32
    %dma_start3A_418 = tpu.memref_slice %dma_start3A_415[%dma_start3A_416, %dma_start3A_417] : memref<2048x2048xf32, #tpu.memory_space<hbm>> -> memref<2048x2048xf32, #tpu.memory_space<hbm>>
    tpu.enqueue_indirect_dma source(%dma_start3A_418 : memref<2048x2048xf32, #tpu.memory_space<hbm>>) target(%dma_start3A_409 : memref<16x2048xf32, #tpu.memory_space<vmem>>) offsets(%dma_start3A_411 : memref<16xi32, #tpu.memory_space<vmem>>) semaphore(%arg7 : memref<!tpu.dma_semaphore, #tpu.memory_space<semaphore_mem>>)
    %dma_wait3A_419 = arith.constant 1 : i32
    %dma_wait3A_420 = arith.constant 0 : i32
    %dma_wait3A_421 = arith.constant 0 : i32
    %dma_wait3A_422 = tpu.memref_slice %arg6[%dma_wait3A_419, %dma_wait3A_420, %dma_wait3A_421] : memref<2x16x2048xf32, #tpu.memory_space<vmem>> -> memref<1x16x2048xf32, #tpu.memory_space<vmem>>
    %dma_wait3A_423 = tpu.memref_squeeze %dma_wait3A_422 : memref<1x16x2048xf32, #tpu.memory_space<vmem>> -> memref<16x2048xf32, #tpu.memory_space<vmem>>
    %dma_wait3A_424 = arith.constant 80 : i32
    %dma_wait3A_425 = tpu.memref_slice %arg5[%dma_wait3A_424] : memref<128xi32, #tpu.memory_space<vmem>> -> memref<16xi32, #tpu.memory_space<vmem>>
    %dma_wait3A_426 = arith.constant 0 : i32
    %dma_wait3A_427 = arith.constant 0 : i32
    %dma_wait3A_428 = tpu.memref_slice %arg2[%select_n3A, %dma_wait3A_426, %dma_wait3A_427] : memref<4x2048x2048xf32, #tpu.memory_space<hbm>> -> memref<1x2048x2048xf32, #tpu.memory_space<hbm>>
    %dma_wait3A_429 = tpu.memref_squeeze %dma_wait3A_428 : memref<1x2048x2048xf32, #tpu.memory_space<hbm>> -> memref<2048x2048xf32, #tpu.memory_space<hbm>>
    %dma_wait3A_430 = arith.constant 0 : i32
    %dma_wait3A_431 = arith.constant 0 : i32
    %dma_wait3A_432 = tpu.memref_slice %dma_wait3A_429[%dma_wait3A_430, %dma_wait3A_431] : memref<2048x2048xf32, #tpu.memory_space<hbm>> -> memref<2048x2048xf32, #tpu.memory_space<hbm>>
    tpu.wait_indirect_dma semaphore(%arg8 : memref<!tpu.dma_semaphore, #tpu.memory_space<semaphore_mem>>) src(%dma_wait3A_432 : memref<2048x2048xf32, #tpu.memory_space<hbm>>) dst(%dma_wait3A_423 : memref<16x2048xf32, #tpu.memory_space<vmem>>)
    %add3A_433 = arith.constant 80 : i32
    %add3A_434 = arith.addi %mul3A_32, %add3A_433 : i32
    %dma_start3A_435 = arith.constant 1 : i32
    %dma_start3A_436 = arith.constant 0 : i32
    %dma_start3A_437 = arith.constant 0 : i32
    %dma_start3A_438 = tpu.memref_slice %arg6[%dma_start3A_435, %dma_start3A_436, %dma_start3A_437] : memref<2x16x2048xf32, #tpu.memory_space<vmem>> -> memref<1x16x2048xf32, #tpu.memory_space<vmem>>
    %dma_start3A_439 = tpu.memref_squeeze %dma_start3A_438 : memref<1x16x2048xf32, #tpu.memory_space<vmem>> -> memref<16x2048xf32, #tpu.memory_space<vmem>>
    %dma_start3A_440 = arith.constant 0 : i32
    %dma_start3A_441 = arith.constant 0 : i32
    %dma_start3A_442 = tpu.memref_slice %arg4[%select_n3A, %dma_start3A_440, %dma_start3A_441] : memref<4x1024x2048xf32, #tpu.memory_space<hbm>> -> memref<1x1024x2048xf32, #tpu.memory_space<hbm>>
    %dma_start3A_443 = tpu.memref_squeeze %dma_start3A_442 : memref<1x1024x2048xf32, #tpu.memory_space<hbm>> -> memref<1024x2048xf32, #tpu.memory_space<hbm>>
    %dma_start3A_444 = arith.constant 0 : i32
    %dma_start3A_445 = tpu.memref_slice %dma_start3A_443[%add3A_434, %dma_start3A_444] : memref<1024x2048xf32, #tpu.memory_space<hbm>> -> memref<16x2048xf32, #tpu.memory_space<hbm>>
    %dma_start3A_446 = arith.constant 0 : i32
    %dma_start3A_447 = arith.constant 0 : i32
    %dma_start3A_448 = tpu.memref_slice %arg4[%select_n3A, %dma_start3A_446, %dma_start3A_447] : memref<4x1024x2048xf32, #tpu.memory_space<hbm>> -> memref<1x1024x2048xf32, #tpu.memory_space<hbm>>
    %dma_start3A_449 = tpu.memref_squeeze %dma_start3A_448 : memref<1x1024x2048xf32, #tpu.memory_space<hbm>> -> memref<1024x2048xf32, #tpu.memory_space<hbm>>
    %dma_start3A_450 = arith.constant 0 : i32
    %dma_start3A_451 = tpu.memref_slice %dma_start3A_449[%add3A_434, %dma_start3A_450] : memref<1024x2048xf32, #tpu.memory_space<hbm>> -> memref<16x2048xf32, #tpu.memory_space<hbm>>
    %dma_start3A_452 = arith.constant 0 : i32
    %dma_start3A_453 = arith.constant 0 : i32
    %dma_start3A_454 = tpu.memref_slice %arg6[%dma_start3A_435, %dma_start3A_452, %dma_start3A_453] : memref<2x16x2048xf32, #tpu.memory_space<vmem>> -> memref<1x16x2048xf32, #tpu.memory_space<vmem>>
    %dma_start3A_455 = tpu.memref_squeeze %dma_start3A_454 : memref<1x16x2048xf32, #tpu.memory_space<vmem>> -> memref<16x2048xf32, #tpu.memory_space<vmem>>
    tpu.enqueue_dma source(%dma_start3A_455 : memref<16x2048xf32, #tpu.memory_space<vmem>>) target(%dma_start3A_451 : memref<16x2048xf32, #tpu.memory_space<hbm>>) target_semaphore(%arg10 : memref<!tpu.dma_semaphore, #tpu.memory_space<semaphore_mem>>)
    %dma_wait3A_456 = arith.constant 1 : i32
    %dma_wait3A_457 = arith.constant 0 : i32
    %dma_wait3A_458 = arith.constant 0 : i32
    %dma_wait3A_459 = tpu.memref_slice %arg6[%dma_wait3A_456, %dma_wait3A_457, %dma_wait3A_458] : memref<2x16x2048xf32, #tpu.memory_space<vmem>> -> memref<1x16x2048xf32, #tpu.memory_space<vmem>>
    %dma_wait3A_460 = tpu.memref_squeeze %dma_wait3A_459 : memref<1x16x2048xf32, #tpu.memory_space<vmem>> -> memref<16x2048xf32, #tpu.memory_space<vmem>>
    %dma_wait3A_461 = arith.constant 0 : i32
    %dma_wait3A_462 = arith.constant 0 : i32
    %dma_wait3A_463 = tpu.memref_slice %arg4[%select_n3A, %dma_wait3A_461, %dma_wait3A_462] : memref<4x1024x2048xf32, #tpu.memory_space<hbm>> -> memref<1x1024x2048xf32, #tpu.memory_space<hbm>>
    %dma_wait3A_464 = tpu.memref_squeeze %dma_wait3A_463 : memref<1x1024x2048xf32, #tpu.memory_space<hbm>> -> memref<1024x2048xf32, #tpu.memory_space<hbm>>
    %dma_wait3A_465 = arith.constant 0 : i32
    %dma_wait3A_466 = tpu.memref_slice %dma_wait3A_464[%add3A_434, %dma_wait3A_465] : memref<1024x2048xf32, #tpu.memory_space<hbm>> -> memref<16x2048xf32, #tpu.memory_space<hbm>>
    %dma_wait3A_467 = arith.constant 0 : i32
    %dma_wait3A_468 = arith.constant 0 : i32
    %dma_wait3A_469 = tpu.memref_slice %arg4[%select_n3A, %dma_wait3A_467, %dma_wait3A_468] : memref<4x1024x2048xf32, #tpu.memory_space<hbm>> -> memref<1x1024x2048xf32, #tpu.memory_space<hbm>>
    %dma_wait3A_470 = tpu.memref_squeeze %dma_wait3A_469 : memref<1x1024x2048xf32, #tpu.memory_space<hbm>> -> memref<1024x2048xf32, #tpu.memory_space<hbm>>
    %dma_wait3A_471 = arith.constant 0 : i32
    %dma_wait3A_472 = tpu.memref_slice %dma_wait3A_470[%add3A_434, %dma_wait3A_471] : memref<1024x2048xf32, #tpu.memory_space<hbm>> -> memref<16x2048xf32, #tpu.memory_space<hbm>>
    %dma_wait3A_473 = arith.constant 0 : i32
    %dma_wait3A_474 = arith.constant 0 : i32
    %dma_wait3A_475 = tpu.memref_slice %arg6[%dma_wait3A_456, %dma_wait3A_473, %dma_wait3A_474] : memref<2x16x2048xf32, #tpu.memory_space<vmem>> -> memref<1x16x2048xf32, #tpu.memory_space<vmem>>
    %dma_wait3A_476 = tpu.memref_squeeze %dma_wait3A_475 : memref<1x16x2048xf32, #tpu.memory_space<vmem>> -> memref<16x2048xf32, #tpu.memory_space<vmem>>
    tpu.wait_dma2 semaphore(%arg10 : memref<!tpu.dma_semaphore, #tpu.memory_space<semaphore_mem>>) src(%dma_wait3A_476 : memref<16x2048xf32, #tpu.memory_space<vmem>>) dst(%dma_wait3A_472 : memref<16x2048xf32, #tpu.memory_space<hbm>>)
    %dma_start3A_477 = arith.constant 1 : i32
    %dma_start3A_478 = arith.constant 0 : i32
    %dma_start3A_479 = arith.constant 0 : i32
    %dma_start3A_480 = tpu.memref_slice %arg6[%dma_start3A_477, %dma_start3A_478, %dma_start3A_479] : memref<2x16x2048xf32, #tpu.memory_space<vmem>> -> memref<1x16x2048xf32, #tpu.memory_space<vmem>>
    %dma_start3A_481 = tpu.memref_squeeze %dma_start3A_480 : memref<1x16x2048xf32, #tpu.memory_space<vmem>> -> memref<16x2048xf32, #tpu.memory_space<vmem>>
    %dma_start3A_482 = arith.constant 112 : i32
    %dma_start3A_483 = tpu.memref_slice %arg5[%dma_start3A_482] : memref<128xi32, #tpu.memory_space<vmem>> -> memref<16xi32, #tpu.memory_space<vmem>>
    %dma_start3A_484 = arith.constant 0 : i32
    %dma_start3A_485 = arith.constant 0 : i32
    %dma_start3A_486 = tpu.memref_slice %arg2[%select_n3A, %dma_start3A_484, %dma_start3A_485] : memref<4x2048x2048xf32, #tpu.memory_space<hbm>> -> memref<1x2048x2048xf32, #tpu.memory_space<hbm>>
    %dma_start3A_487 = tpu.memref_squeeze %dma_start3A_486 : memref<1x2048x2048xf32, #tpu.memory_space<hbm>> -> memref<2048x2048xf32, #tpu.memory_space<hbm>>
    %dma_start3A_488 = arith.constant 0 : i32
    %dma_start3A_489 = arith.constant 0 : i32
    %dma_start3A_490 = tpu.memref_slice %dma_start3A_487[%dma_start3A_488, %dma_start3A_489] : memref<2048x2048xf32, #tpu.memory_space<hbm>> -> memref<2048x2048xf32, #tpu.memory_space<hbm>>
    tpu.enqueue_indirect_dma source(%dma_start3A_490 : memref<2048x2048xf32, #tpu.memory_space<hbm>>) target(%dma_start3A_481 : memref<16x2048xf32, #tpu.memory_space<vmem>>) offsets(%dma_start3A_483 : memref<16xi32, #tpu.memory_space<vmem>>) semaphore(%arg8 : memref<!tpu.dma_semaphore, #tpu.memory_space<semaphore_mem>>)
    %dma_wait3A_491 = arith.constant 0 : i32
    %dma_wait3A_492 = arith.constant 0 : i32
    %dma_wait3A_493 = arith.constant 0 : i32
    %dma_wait3A_494 = tpu.memref_slice %arg6[%dma_wait3A_491, %dma_wait3A_492, %dma_wait3A_493] : memref<2x16x2048xf32, #tpu.memory_space<vmem>> -> memref<1x16x2048xf32, #tpu.memory_space<vmem>>
    %dma_wait3A_495 = tpu.memref_squeeze %dma_wait3A_494 : memref<1x16x2048xf32, #tpu.memory_space<vmem>> -> memref<16x2048xf32, #tpu.memory_space<vmem>>
    %dma_wait3A_496 = arith.constant 96 : i32
    %dma_wait3A_497 = tpu.memref_slice %arg5[%dma_wait3A_496] : memref<128xi32, #tpu.memory_space<vmem>> -> memref<16xi32, #tpu.memory_space<vmem>>
    %dma_wait3A_498 = arith.constant 0 : i32
    %dma_wait3A_499 = arith.constant 0 : i32
    %dma_wait3A_500 = tpu.memref_slice %arg2[%select_n3A, %dma_wait3A_498, %dma_wait3A_499] : memref<4x2048x2048xf32, #tpu.memory_space<hbm>> -> memref<1x2048x2048xf32, #tpu.memory_space<hbm>>
    %dma_wait3A_501 = tpu.memref_squeeze %dma_wait3A_500 : memref<1x2048x2048xf32, #tpu.memory_space<hbm>> -> memref<2048x2048xf32, #tpu.memory_space<hbm>>
    %dma_wait3A_502 = arith.constant 0 : i32
    %dma_wait3A_503 = arith.constant 0 : i32
    %dma_wait3A_504 = tpu.memref_slice %dma_wait3A_501[%dma_wait3A_502, %dma_wait3A_503] : memref<2048x2048xf32, #tpu.memory_space<hbm>> -> memref<2048x2048xf32, #tpu.memory_space<hbm>>
    tpu.wait_indirect_dma semaphore(%arg7 : memref<!tpu.dma_semaphore, #tpu.memory_space<semaphore_mem>>) src(%dma_wait3A_504 : memref<2048x2048xf32, #tpu.memory_space<hbm>>) dst(%dma_wait3A_495 : memref<16x2048xf32, #tpu.memory_space<vmem>>)
    %add3A_505 = arith.constant 96 : i32
    %add3A_506 = arith.addi %mul3A_32, %add3A_505 : i32
    %dma_start3A_507 = arith.constant 0 : i32
    %dma_start3A_508 = arith.constant 0 : i32
    %dma_start3A_509 = arith.constant 0 : i32
    %dma_start3A_510 = tpu.memref_slice %arg6[%dma_start3A_507, %dma_start3A_508, %dma_start3A_509] : memref<2x16x2048xf32, #tpu.memory_space<vmem>> -> memref<1x16x2048xf32, #tpu.memory_space<vmem>>
    %dma_start3A_511 = tpu.memref_squeeze %dma_start3A_510 : memref<1x16x2048xf32, #tpu.memory_space<vmem>> -> memref<16x2048xf32, #tpu.memory_space<vmem>>
    %dma_start3A_512 = arith.constant 0 : i32
    %dma_start3A_513 = arith.constant 0 : i32
    %dma_start3A_514 = tpu.memref_slice %arg4[%select_n3A, %dma_start3A_512, %dma_start3A_513] : memref<4x1024x2048xf32, #tpu.memory_space<hbm>> -> memref<1x1024x2048xf32, #tpu.memory_space<hbm>>
    %dma_start3A_515 = tpu.memref_squeeze %dma_start3A_514 : memref<1x1024x2048xf32, #tpu.memory_space<hbm>> -> memref<1024x2048xf32, #tpu.memory_space<hbm>>
    %dma_start3A_516 = arith.constant 0 : i32
    %dma_start3A_517 = tpu.memref_slice %dma_start3A_515[%add3A_506, %dma_start3A_516] : memref<1024x2048xf32, #tpu.memory_space<hbm>> -> memref<16x2048xf32, #tpu.memory_space<hbm>>
    %dma_start3A_518 = arith.constant 0 : i32
    %dma_start3A_519 = arith.constant 0 : i32
    %dma_start3A_520 = tpu.memref_slice %arg4[%select_n3A, %dma_start3A_518, %dma_start3A_519] : memref<4x1024x2048xf32, #tpu.memory_space<hbm>> -> memref<1x1024x2048xf32, #tpu.memory_space<hbm>>
    %dma_start3A_521 = tpu.memref_squeeze %dma_start3A_520 : memref<1x1024x2048xf32, #tpu.memory_space<hbm>> -> memref<1024x2048xf32, #tpu.memory_space<hbm>>
    %dma_start3A_522 = arith.constant 0 : i32
    %dma_start3A_523 = tpu.memref_slice %dma_start3A_521[%add3A_506, %dma_start3A_522] : memref<1024x2048xf32, #tpu.memory_space<hbm>> -> memref<16x2048xf32, #tpu.memory_space<hbm>>
    %dma_start3A_524 = arith.constant 0 : i32
    %dma_start3A_525 = arith.constant 0 : i32
    %dma_start3A_526 = tpu.memref_slice %arg6[%dma_start3A_507, %dma_start3A_524, %dma_start3A_525] : memref<2x16x2048xf32, #tpu.memory_space<vmem>> -> memref<1x16x2048xf32, #tpu.memory_space<vmem>>
    %dma_start3A_527 = tpu.memref_squeeze %dma_start3A_526 : memref<1x16x2048xf32, #tpu.memory_space<vmem>> -> memref<16x2048xf32, #tpu.memory_space<vmem>>
    tpu.enqueue_dma source(%dma_start3A_527 : memref<16x2048xf32, #tpu.memory_space<vmem>>) target(%dma_start3A_523 : memref<16x2048xf32, #tpu.memory_space<hbm>>) target_semaphore(%arg9 : memref<!tpu.dma_semaphore, #tpu.memory_space<semaphore_mem>>)
    %dma_wait3A_528 = arith.constant 1 : i32
    %dma_wait3A_529 = arith.constant 0 : i32
    %dma_wait3A_530 = arith.constant 0 : i32
    %dma_wait3A_531 = tpu.memref_slice %arg6[%dma_wait3A_528, %dma_wait3A_529, %dma_wait3A_530] : memref<2x16x2048xf32, #tpu.memory_space<vmem>> -> memref<1x16x2048xf32, #tpu.memory_space<vmem>>
    %dma_wait3A_532 = tpu.memref_squeeze %dma_wait3A_531 : memref<1x16x2048xf32, #tpu.memory_space<vmem>> -> memref<16x2048xf32, #tpu.memory_space<vmem>>
    %dma_wait3A_533 = arith.constant 112 : i32
    %dma_wait3A_534 = tpu.memref_slice %arg5[%dma_wait3A_533] : memref<128xi32, #tpu.memory_space<vmem>> -> memref<16xi32, #tpu.memory_space<vmem>>
    %dma_wait3A_535 = arith.constant 0 : i32
    %dma_wait3A_536 = arith.constant 0 : i32
    %dma_wait3A_537 = tpu.memref_slice %arg2[%select_n3A, %dma_wait3A_535, %dma_wait3A_536] : memref<4x2048x2048xf32, #tpu.memory_space<hbm>> -> memref<1x2048x2048xf32, #tpu.memory_space<hbm>>
    %dma_wait3A_538 = tpu.memref_squeeze %dma_wait3A_537 : memref<1x2048x2048xf32, #tpu.memory_space<hbm>> -> memref<2048x2048xf32, #tpu.memory_space<hbm>>
    %dma_wait3A_539 = arith.constant 0 : i32
    %dma_wait3A_540 = arith.constant 0 : i32
    %dma_wait3A_541 = tpu.memref_slice %dma_wait3A_538[%dma_wait3A_539, %dma_wait3A_540] : memref<2048x2048xf32, #tpu.memory_space<hbm>> -> memref<2048x2048xf32, #tpu.memory_space<hbm>>
    tpu.wait_indirect_dma semaphore(%arg8 : memref<!tpu.dma_semaphore, #tpu.memory_space<semaphore_mem>>) src(%dma_wait3A_541 : memref<2048x2048xf32, #tpu.memory_space<hbm>>) dst(%dma_wait3A_532 : memref<16x2048xf32, #tpu.memory_space<vmem>>)
    %add3A_542 = arith.constant 112 : i32
    %add3A_543 = arith.addi %mul3A_32, %add3A_542 : i32
    %dma_start3A_544 = arith.constant 1 : i32
    %dma_start3A_545 = arith.constant 0 : i32
    %dma_start3A_546 = arith.constant 0 : i32
    %dma_start3A_547 = tpu.memref_slice %arg6[%dma_start3A_544, %dma_start3A_545, %dma_start3A_546] : memref<2x16x2048xf32, #tpu.memory_space<vmem>> -> memref<1x16x2048xf32, #tpu.memory_space<vmem>>
    %dma_start3A_548 = tpu.memref_squeeze %dma_start3A_547 : memref<1x16x2048xf32, #tpu.memory_space<vmem>> -> memref<16x2048xf32, #tpu.memory_space<vmem>>
    %dma_start3A_549 = arith.constant 0 : i32
    %dma_start3A_550 = arith.constant 0 : i32
    %dma_start3A_551 = tpu.memref_slice %arg4[%select_n3A, %dma_start3A_549, %dma_start3A_550] : memref<4x1024x2048xf32, #tpu.memory_space<hbm>> -> memref<1x1024x2048xf32, #tpu.memory_space<hbm>>
    %dma_start3A_552 = tpu.memref_squeeze %dma_start3A_551 : memref<1x1024x2048xf32, #tpu.memory_space<hbm>> -> memref<1024x2048xf32, #tpu.memory_space<hbm>>
    %dma_start3A_553 = arith.constant 0 : i32
    %dma_start3A_554 = tpu.memref_slice %dma_start3A_552[%add3A_543, %dma_start3A_553] : memref<1024x2048xf32, #tpu.memory_space<hbm>> -> memref<16x2048xf32, #tpu.memory_space<hbm>>
    %dma_start3A_555 = arith.constant 0 : i32
    %dma_start3A_556 = arith.constant 0 : i32
    %dma_start3A_557 = tpu.memref_slice %arg4[%select_n3A, %dma_start3A_555, %dma_start3A_556] : memref<4x1024x2048xf32, #tpu.memory_space<hbm>> -> memref<1x1024x2048xf32, #tpu.memory_space<hbm>>
    %dma_start3A_558 = tpu.memref_squeeze %dma_start3A_557 : memref<1x1024x2048xf32, #tpu.memory_space<hbm>> -> memref<1024x2048xf32, #tpu.memory_space<hbm>>
    %dma_start3A_559 = arith.constant 0 : i32
    %dma_start3A_560 = tpu.memref_slice %dma_start3A_558[%add3A_543, %dma_start3A_559] : memref<1024x2048xf32, #tpu.memory_space<hbm>> -> memref<16x2048xf32, #tpu.memory_space<hbm>>
    %dma_start3A_561 = arith.constant 0 : i32
    %dma_start3A_562 = arith.constant 0 : i32
    %dma_start3A_563 = tpu.memref_slice %arg6[%dma_start3A_544, %dma_start3A_561, %dma_start3A_562] : memref<2x16x2048xf32, #tpu.memory_space<vmem>> -> memref<1x16x2048xf32, #tpu.memory_space<vmem>>
    %dma_start3A_564 = tpu.memref_squeeze %dma_start3A_563 : memref<1x16x2048xf32, #tpu.memory_space<vmem>> -> memref<16x2048xf32, #tpu.memory_space<vmem>>
    tpu.enqueue_dma source(%dma_start3A_564 : memref<16x2048xf32, #tpu.memory_space<vmem>>) target(%dma_start3A_560 : memref<16x2048xf32, #tpu.memory_space<hbm>>) target_semaphore(%arg10 : memref<!tpu.dma_semaphore, #tpu.memory_space<semaphore_mem>>)
    %dma_wait3A_565 = arith.constant 0 : i32
    %dma_wait3A_566 = arith.constant 0 : i32
    %dma_wait3A_567 = arith.constant 0 : i32
    %dma_wait3A_568 = tpu.memref_slice %arg6[%dma_wait3A_565, %dma_wait3A_566, %dma_wait3A_567] : memref<2x16x2048xf32, #tpu.memory_space<vmem>> -> memref<1x16x2048xf32, #tpu.memory_space<vmem>>
    %dma_wait3A_569 = tpu.memref_squeeze %dma_wait3A_568 : memref<1x16x2048xf32, #tpu.memory_space<vmem>> -> memref<16x2048xf32, #tpu.memory_space<vmem>>
    %dma_wait3A_570 = arith.constant 0 : i32
    %dma_wait3A_571 = arith.constant 0 : i32
    %dma_wait3A_572 = tpu.memref_slice %arg4[%select_n3A, %dma_wait3A_570, %dma_wait3A_571] : memref<4x1024x2048xf32, #tpu.memory_space<hbm>> -> memref<1x1024x2048xf32, #tpu.memory_space<hbm>>
    %dma_wait3A_573 = tpu.memref_squeeze %dma_wait3A_572 : memref<1x1024x2048xf32, #tpu.memory_space<hbm>> -> memref<1024x2048xf32, #tpu.memory_space<hbm>>
    %dma_wait3A_574 = arith.constant 0 : i32
    %dma_wait3A_575 = tpu.memref_slice %dma_wait3A_573[%add3A_506, %dma_wait3A_574] : memref<1024x2048xf32, #tpu.memory_space<hbm>> -> memref<16x2048xf32, #tpu.memory_space<hbm>>
    %dma_wait3A_576 = arith.constant 0 : i32
    %dma_wait3A_577 = arith.constant 0 : i32
    %dma_wait3A_578 = tpu.memref_slice %arg4[%select_n3A, %dma_wait3A_576, %dma_wait3A_577] : memref<4x1024x2048xf32, #tpu.memory_space<hbm>> -> memref<1x1024x2048xf32, #tpu.memory_space<hbm>>
    %dma_wait3A_579 = tpu.memref_squeeze %dma_wait3A_578 : memref<1x1024x2048xf32, #tpu.memory_space<hbm>> -> memref<1024x2048xf32, #tpu.memory_space<hbm>>
    %dma_wait3A_580 = arith.constant 0 : i32
    %dma_wait3A_581 = tpu.memref_slice %dma_wait3A_579[%add3A_506, %dma_wait3A_580] : memref<1024x2048xf32, #tpu.memory_space<hbm>> -> memref<16x2048xf32, #tpu.memory_space<hbm>>
    %dma_wait3A_582 = arith.constant 0 : i32
    %dma_wait3A_583 = arith.constant 0 : i32
    %dma_wait3A_584 = tpu.memref_slice %arg6[%dma_wait3A_565, %dma_wait3A_582, %dma_wait3A_583] : memref<2x16x2048xf32, #tpu.memory_space<vmem>> -> memref<1x16x2048xf32, #tpu.memory_space<vmem>>
    %dma_wait3A_585 = tpu.memref_squeeze %dma_wait3A_584 : memref<1x16x2048xf32, #tpu.memory_space<vmem>> -> memref<16x2048xf32, #tpu.memory_space<vmem>>
    tpu.wait_dma2 semaphore(%arg9 : memref<!tpu.dma_semaphore, #tpu.memory_space<semaphore_mem>>) src(%dma_wait3A_585 : memref<16x2048xf32, #tpu.memory_space<vmem>>) dst(%dma_wait3A_581 : memref<16x2048xf32, #tpu.memory_space<hbm>>)
    %dma_wait3A_586 = arith.constant 1 : i32
    %dma_wait3A_587 = arith.constant 0 : i32
    %dma_wait3A_588 = arith.constant 0 : i32
    %dma_wait3A_589 = tpu.memref_slice %arg6[%dma_wait3A_586, %dma_wait3A_587, %dma_wait3A_588] : memref<2x16x2048xf32, #tpu.memory_space<vmem>> -> memref<1x16x2048xf32, #tpu.memory_space<vmem>>
    %dma_wait3A_590 = tpu.memref_squeeze %dma_wait3A_589 : memref<1x16x2048xf32, #tpu.memory_space<vmem>> -> memref<16x2048xf32, #tpu.memory_space<vmem>>
    %dma_wait3A_591 = arith.constant 0 : i32
    %dma_wait3A_592 = arith.constant 0 : i32
    %dma_wait3A_593 = tpu.memref_slice %arg4[%select_n3A, %dma_wait3A_591, %dma_wait3A_592] : memref<4x1024x2048xf32, #tpu.memory_space<hbm>> -> memref<1x1024x2048xf32, #tpu.memory_space<hbm>>
    %dma_wait3A_594 = tpu.memref_squeeze %dma_wait3A_593 : memref<1x1024x2048xf32, #tpu.memory_space<hbm>> -> memref<1024x2048xf32, #tpu.memory_space<hbm>>
    %dma_wait3A_595 = arith.constant 0 : i32
    %dma_wait3A_596 = tpu.memref_slice %dma_wait3A_594[%add3A_543, %dma_wait3A_595] : memref<1024x2048xf32, #tpu.memory_space<hbm>> -> memref<16x2048xf32, #tpu.memory_space<hbm>>
    %dma_wait3A_597 = arith.constant 0 : i32
    %dma_wait3A_598 = arith.constant 0 : i32
    %dma_wait3A_599 = tpu.memref_slice %arg4[%select_n3A, %dma_wait3A_597, %dma_wait3A_598] : memref<4x1024x2048xf32, #tpu.memory_space<hbm>> -> memref<1x1024x2048xf32, #tpu.memory_space<hbm>>
    %dma_wait3A_600 = tpu.memref_squeeze %dma_wait3A_599 : memref<1x1024x2048xf32, #tpu.memory_space<hbm>> -> memref<1024x2048xf32, #tpu.memory_space<hbm>>
    %dma_wait3A_601 = arith.constant 0 : i32
    %dma_wait3A_602 = tpu.memref_slice %dma_wait3A_600[%add3A_543, %dma_wait3A_601] : memref<1024x2048xf32, #tpu.memory_space<hbm>> -> memref<16x2048xf32, #tpu.memory_space<hbm>>
    %dma_wait3A_603 = arith.constant 0 : i32
    %dma_wait3A_604 = arith.constant 0 : i32
    %dma_wait3A_605 = tpu.memref_slice %arg6[%dma_wait3A_586, %dma_wait3A_603, %dma_wait3A_604] : memref<2x16x2048xf32, #tpu.memory_space<vmem>> -> memref<1x16x2048xf32, #tpu.memory_space<vmem>>
    %dma_wait3A_606 = tpu.memref_squeeze %dma_wait3A_605 : memref<1x16x2048xf32, #tpu.memory_space<vmem>> -> memref<16x2048xf32, #tpu.memory_space<vmem>>
    tpu.wait_dma2 semaphore(%arg10 : memref<!tpu.dma_semaphore, #tpu.memory_space<semaphore_mem>>) src(%dma_wait3A_606 : memref<16x2048xf32, #tpu.memory_space<vmem>>) dst(%dma_wait3A_602 : memref<16x2048xf32, #tpu.memory_space<hbm>>)
    return
  }
}

module attributes {stable_mosaic.version = 14 : i64} {
  func.func @_rank_kernel(%arg0: i32, %arg1: memref<1x1x2048xf32, #tpu.memory_space<vmem>>, %arg2: memref<1x2048x1xf32, #tpu.memory_space<vmem>>, %arg3: memref<1x2048x2xf32, #tpu.memory_space<vmem>>, %arg4: memref<1x2048x2xf32, #tpu.memory_space<vmem>>, %arg5: memref<1x2048x1xi32, #tpu.memory_space<vmem>>) attributes {dimension_semantics = [#tpu.dimension_semantics<arbitrary>], iteration_bounds = array<i64: 4>, scalar_prefetch = 0 : i64, scratch_operands = 0 : i64, tpu.core_type = #tpu.core_type<tc>, window_params = [{transform_indices = @transform_0, window_bounds = array<i64: 1, 1, 2048>}, {transform_indices = @transform_1, window_bounds = array<i64: 1, 2048, 1>}, {transform_indices = @transform_2, window_bounds = array<i64: 1, 2048, 2>}, {transform_indices = @transform_3, window_bounds = array<i64: 1, 2048, 2>}, {transform_indices = @transform_4, window_bounds = array<i64: 1, 2048, 1>}]} {
    %get3A = arith.constant 0 : index
    %get3A_0 = arith.constant 0 : index
    %get3A_1 = arith.constant 0 : index
    %get3A_2 = vector.load %arg1[%get3A, %get3A_0, %get3A_1] : memref<1x1x2048xf32, #tpu.memory_space<vmem>>, vector<1x1x2048xf32>
    %get3A_3 = vector.shape_cast %get3A_2 : vector<1x1x2048xf32> to vector<1x2048xf32>
    %iota3A = tpu.iota {dimensions = array<i32: 1>} : vector<1x2048xi32>
    %broadcast_in_dim3A = arith.constant 1.000000e+00 : bf16
    %broadcast_in_dim3A_4 = vector.broadcast %broadcast_in_dim3A : bf16 to vector<1x256xbf16>
    %broadcast_in_dim3A_5 = arith.constant 0.000000e+00 : f32
    %broadcast_in_dim3A_6 = vector.broadcast %broadcast_in_dim3A_5 : f32 to vector<1x2048xf32>
    %get3A_7 = arith.constant 0 : index
    %get3A_8 = arith.constant 0 : index
    %get3A_9 = arith.constant 0 : index
    %get3A_10 = vector.load %arg2[%get3A_7, %get3A_8, %get3A_9] : memref<1x2048x1xf32, #tpu.memory_space<vmem>>, vector<1x256x1xf32>
    %get3A_11 = vector.shape_cast %get3A_10 : vector<1x256x1xf32> to vector<256x1xf32>
    %iota3A_12 = tpu.iota {dimensions = array<i32: 0>} : vector<256x1xi32>
    %add3A = arith.constant 0 : i32
    %add3A_13 = vector.broadcast %add3A : i32 to vector<256x1xi32>
    %add3A_14 = arith.addi %iota3A_12, %add3A_13 : vector<256x1xi32>
    %gt3A = vector.broadcast %get3A_11 : vector<256x1xf32> to vector<256x2048xf32>
    %gt3A_15 = vector.broadcast %get3A_3 : vector<1x2048xf32> to vector<256x2048xf32>
    %gt3A_16 = arith.cmpf ogt, %gt3A, %gt3A_15 : vector<256x2048xf32>
    %eq3A = vector.broadcast %get3A_11 : vector<256x1xf32> to vector<256x2048xf32>
    %eq3A_17 = vector.broadcast %get3A_3 : vector<1x2048xf32> to vector<256x2048xf32>
    %eq3A_18 = arith.cmpf oeq, %eq3A, %eq3A_17 : vector<256x2048xf32>
    %lt3A = vector.broadcast %add3A_14 : vector<256x1xi32> to vector<256x2048xi32>
    %lt3A_19 = vector.broadcast %iota3A : vector<1x2048xi32> to vector<256x2048xi32>
    %lt3A_20 = arith.cmpi slt, %lt3A, %lt3A_19 : vector<256x2048xi32>
    %and3A = arith.andi %eq3A_18, %lt3A_20 : vector<256x2048xi1>
    %or3A = arith.ori %gt3A_16, %and3A : vector<256x2048xi1>
    %convert_element_type3A = arith.extui %or3A : vector<256x2048xi1> to vector<256x2048xi32>
    %convert_element_type3A_21 = arith.sitofp %convert_element_type3A : vector<256x2048xi32> to vector<256x2048xf32>
    %convert_element_type3A_22 = arith.truncf %convert_element_type3A_21 : vector<256x2048xf32> to vector<256x2048xbf16>
    %dot_general3A = arith.constant dense<0.000000e+00> : vector<1x2048xf32>
    %dot_general3A_23 = tpu.matmul %broadcast_in_dim3A_4, %convert_element_type3A_22, %dot_general3A {dimension_numbers = #tpu.dot_dimension_numbers<[1], [0], [0], [1], [0, 0, 1, 1], [], []>, transpose_lhs_hint = false} : vector<1x256xbf16>, vector<256x2048xbf16>, vector<1x2048xf32> -> vector<1x2048xf32>
    %add3A_24 = arith.addf %broadcast_in_dim3A_6, %dot_general3A_23 : vector<1x2048xf32>
    %get3A_25 = arith.constant 0 : index
    %get3A_26 = arith.constant 256 : index
    %get3A_27 = arith.constant 0 : index
    %get3A_28 = vector.load %arg2[%get3A_25, %get3A_26, %get3A_27] : memref<1x2048x1xf32, #tpu.memory_space<vmem>>, vector<1x256x1xf32>
    %get3A_29 = vector.shape_cast %get3A_28 : vector<1x256x1xf32> to vector<256x1xf32>
    %iota3A_30 = tpu.iota {dimensions = array<i32: 0>} : vector<256x1xi32>
    %add3A_31 = arith.constant 256 : i32
    %add3A_32 = vector.broadcast %add3A_31 : i32 to vector<256x1xi32>
    %add3A_33 = arith.addi %iota3A_30, %add3A_32 : vector<256x1xi32>
    %gt3A_34 = vector.broadcast %get3A_29 : vector<256x1xf32> to vector<256x2048xf32>
    %gt3A_35 = vector.broadcast %get3A_3 : vector<1x2048xf32> to vector<256x2048xf32>
    %gt3A_36 = arith.cmpf ogt, %gt3A_34, %gt3A_35 : vector<256x2048xf32>
    %eq3A_37 = vector.broadcast %get3A_29 : vector<256x1xf32> to vector<256x2048xf32>
    %eq3A_38 = vector.broadcast %get3A_3 : vector<1x2048xf32> to vector<256x2048xf32>
    %eq3A_39 = arith.cmpf oeq, %eq3A_37, %eq3A_38 : vector<256x2048xf32>
    %lt3A_40 = vector.broadcast %add3A_33 : vector<256x1xi32> to vector<256x2048xi32>
    %lt3A_41 = vector.broadcast %iota3A : vector<1x2048xi32> to vector<256x2048xi32>
    %lt3A_42 = arith.cmpi slt, %lt3A_40, %lt3A_41 : vector<256x2048xi32>
    %and3A_43 = arith.andi %eq3A_39, %lt3A_42 : vector<256x2048xi1>
    %or3A_44 = arith.ori %gt3A_36, %and3A_43 : vector<256x2048xi1>
    %convert_element_type3A_45 = arith.extui %or3A_44 : vector<256x2048xi1> to vector<256x2048xi32>
    %convert_element_type3A_46 = arith.sitofp %convert_element_type3A_45 : vector<256x2048xi32> to vector<256x2048xf32>
    %convert_element_type3A_47 = arith.truncf %convert_element_type3A_46 : vector<256x2048xf32> to vector<256x2048xbf16>
    %dot_general3A_48 = arith.constant dense<0.000000e+00> : vector<1x2048xf32>
    %dot_general3A_49 = tpu.matmul %broadcast_in_dim3A_4, %convert_element_type3A_47, %dot_general3A_48 {dimension_numbers = #tpu.dot_dimension_numbers<[1], [0], [0], [1], [0, 0, 1, 1], [], []>, transpose_lhs_hint = false} : vector<1x256xbf16>, vector<256x2048xbf16>, vector<1x2048xf32> -> vector<1x2048xf32>
    %add3A_50 = arith.addf %add3A_24, %dot_general3A_49 : vector<1x2048xf32>
    %get3A_51 = arith.constant 0 : index
    %get3A_52 = arith.constant 512 : index
    %get3A_53 = arith.constant 0 : index
    %get3A_54 = vector.load %arg2[%get3A_51, %get3A_52, %get3A_53] : memref<1x2048x1xf32, #tpu.memory_space<vmem>>, vector<1x256x1xf32>
    %get3A_55 = vector.shape_cast %get3A_54 : vector<1x256x1xf32> to vector<256x1xf32>
    %iota3A_56 = tpu.iota {dimensions = array<i32: 0>} : vector<256x1xi32>
    %add3A_57 = arith.constant 512 : i32
    %add3A_58 = vector.broadcast %add3A_57 : i32 to vector<256x1xi32>
    %add3A_59 = arith.addi %iota3A_56, %add3A_58 : vector<256x1xi32>
    %gt3A_60 = vector.broadcast %get3A_55 : vector<256x1xf32> to vector<256x2048xf32>
    %gt3A_61 = vector.broadcast %get3A_3 : vector<1x2048xf32> to vector<256x2048xf32>
    %gt3A_62 = arith.cmpf ogt, %gt3A_60, %gt3A_61 : vector<256x2048xf32>
    %eq3A_63 = vector.broadcast %get3A_55 : vector<256x1xf32> to vector<256x2048xf32>
    %eq3A_64 = vector.broadcast %get3A_3 : vector<1x2048xf32> to vector<256x2048xf32>
    %eq3A_65 = arith.cmpf oeq, %eq3A_63, %eq3A_64 : vector<256x2048xf32>
    %lt3A_66 = vector.broadcast %add3A_59 : vector<256x1xi32> to vector<256x2048xi32>
    %lt3A_67 = vector.broadcast %iota3A : vector<1x2048xi32> to vector<256x2048xi32>
    %lt3A_68 = arith.cmpi slt, %lt3A_66, %lt3A_67 : vector<256x2048xi32>
    %and3A_69 = arith.andi %eq3A_65, %lt3A_68 : vector<256x2048xi1>
    %or3A_70 = arith.ori %gt3A_62, %and3A_69 : vector<256x2048xi1>
    %convert_element_type3A_71 = arith.extui %or3A_70 : vector<256x2048xi1> to vector<256x2048xi32>
    %convert_element_type3A_72 = arith.sitofp %convert_element_type3A_71 : vector<256x2048xi32> to vector<256x2048xf32>
    %convert_element_type3A_73 = arith.truncf %convert_element_type3A_72 : vector<256x2048xf32> to vector<256x2048xbf16>
    %dot_general3A_74 = arith.constant dense<0.000000e+00> : vector<1x2048xf32>
    %dot_general3A_75 = tpu.matmul %broadcast_in_dim3A_4, %convert_element_type3A_73, %dot_general3A_74 {dimension_numbers = #tpu.dot_dimension_numbers<[1], [0], [0], [1], [0, 0, 1, 1], [], []>, transpose_lhs_hint = false} : vector<1x256xbf16>, vector<256x2048xbf16>, vector<1x2048xf32> -> vector<1x2048xf32>
    %add3A_76 = arith.addf %add3A_50, %dot_general3A_75 : vector<1x2048xf32>
    %get3A_77 = arith.constant 0 : index
    %get3A_78 = arith.constant 768 : index
    %get3A_79 = arith.constant 0 : index
    %get3A_80 = vector.load %arg2[%get3A_77, %get3A_78, %get3A_79] : memref<1x2048x1xf32, #tpu.memory_space<vmem>>, vector<1x256x1xf32>
    %get3A_81 = vector.shape_cast %get3A_80 : vector<1x256x1xf32> to vector<256x1xf32>
    %iota3A_82 = tpu.iota {dimensions = array<i32: 0>} : vector<256x1xi32>
    %add3A_83 = arith.constant 768 : i32
    %add3A_84 = vector.broadcast %add3A_83 : i32 to vector<256x1xi32>
    %add3A_85 = arith.addi %iota3A_82, %add3A_84 : vector<256x1xi32>
    %gt3A_86 = vector.broadcast %get3A_81 : vector<256x1xf32> to vector<256x2048xf32>
    %gt3A_87 = vector.broadcast %get3A_3 : vector<1x2048xf32> to vector<256x2048xf32>
    %gt3A_88 = arith.cmpf ogt, %gt3A_86, %gt3A_87 : vector<256x2048xf32>
    %eq3A_89 = vector.broadcast %get3A_81 : vector<256x1xf32> to vector<256x2048xf32>
    %eq3A_90 = vector.broadcast %get3A_3 : vector<1x2048xf32> to vector<256x2048xf32>
    %eq3A_91 = arith.cmpf oeq, %eq3A_89, %eq3A_90 : vector<256x2048xf32>
    %lt3A_92 = vector.broadcast %add3A_85 : vector<256x1xi32> to vector<256x2048xi32>
    %lt3A_93 = vector.broadcast %iota3A : vector<1x2048xi32> to vector<256x2048xi32>
    %lt3A_94 = arith.cmpi slt, %lt3A_92, %lt3A_93 : vector<256x2048xi32>
    %and3A_95 = arith.andi %eq3A_91, %lt3A_94 : vector<256x2048xi1>
    %or3A_96 = arith.ori %gt3A_88, %and3A_95 : vector<256x2048xi1>
    %convert_element_type3A_97 = arith.extui %or3A_96 : vector<256x2048xi1> to vector<256x2048xi32>
    %convert_element_type3A_98 = arith.sitofp %convert_element_type3A_97 : vector<256x2048xi32> to vector<256x2048xf32>
    %convert_element_type3A_99 = arith.truncf %convert_element_type3A_98 : vector<256x2048xf32> to vector<256x2048xbf16>
    %dot_general3A_100 = arith.constant dense<0.000000e+00> : vector<1x2048xf32>
    %dot_general3A_101 = tpu.matmul %broadcast_in_dim3A_4, %convert_element_type3A_99, %dot_general3A_100 {dimension_numbers = #tpu.dot_dimension_numbers<[1], [0], [0], [1], [0, 0, 1, 1], [], []>, transpose_lhs_hint = false} : vector<1x256xbf16>, vector<256x2048xbf16>, vector<1x2048xf32> -> vector<1x2048xf32>
    %add3A_102 = arith.addf %add3A_76, %dot_general3A_101 : vector<1x2048xf32>
    %get3A_103 = arith.constant 0 : index
    %get3A_104 = arith.constant 1024 : index
    %get3A_105 = arith.constant 0 : index
    %get3A_106 = vector.load %arg2[%get3A_103, %get3A_104, %get3A_105] : memref<1x2048x1xf32, #tpu.memory_space<vmem>>, vector<1x256x1xf32>
    %get3A_107 = vector.shape_cast %get3A_106 : vector<1x256x1xf32> to vector<256x1xf32>
    %iota3A_108 = tpu.iota {dimensions = array<i32: 0>} : vector<256x1xi32>
    %add3A_109 = arith.constant 1024 : i32
    %add3A_110 = vector.broadcast %add3A_109 : i32 to vector<256x1xi32>
    %add3A_111 = arith.addi %iota3A_108, %add3A_110 : vector<256x1xi32>
    %gt3A_112 = vector.broadcast %get3A_107 : vector<256x1xf32> to vector<256x2048xf32>
    %gt3A_113 = vector.broadcast %get3A_3 : vector<1x2048xf32> to vector<256x2048xf32>
    %gt3A_114 = arith.cmpf ogt, %gt3A_112, %gt3A_113 : vector<256x2048xf32>
    %eq3A_115 = vector.broadcast %get3A_107 : vector<256x1xf32> to vector<256x2048xf32>
    %eq3A_116 = vector.broadcast %get3A_3 : vector<1x2048xf32> to vector<256x2048xf32>
    %eq3A_117 = arith.cmpf oeq, %eq3A_115, %eq3A_116 : vector<256x2048xf32>
    %lt3A_118 = vector.broadcast %add3A_111 : vector<256x1xi32> to vector<256x2048xi32>
    %lt3A_119 = vector.broadcast %iota3A : vector<1x2048xi32> to vector<256x2048xi32>
    %lt3A_120 = arith.cmpi slt, %lt3A_118, %lt3A_119 : vector<256x2048xi32>
    %and3A_121 = arith.andi %eq3A_117, %lt3A_120 : vector<256x2048xi1>
    %or3A_122 = arith.ori %gt3A_114, %and3A_121 : vector<256x2048xi1>
    %convert_element_type3A_123 = arith.extui %or3A_122 : vector<256x2048xi1> to vector<256x2048xi32>
    %convert_element_type3A_124 = arith.sitofp %convert_element_type3A_123 : vector<256x2048xi32> to vector<256x2048xf32>
    %convert_element_type3A_125 = arith.truncf %convert_element_type3A_124 : vector<256x2048xf32> to vector<256x2048xbf16>
    %dot_general3A_126 = arith.constant dense<0.000000e+00> : vector<1x2048xf32>
    %dot_general3A_127 = tpu.matmul %broadcast_in_dim3A_4, %convert_element_type3A_125, %dot_general3A_126 {dimension_numbers = #tpu.dot_dimension_numbers<[1], [0], [0], [1], [0, 0, 1, 1], [], []>, transpose_lhs_hint = false} : vector<1x256xbf16>, vector<256x2048xbf16>, vector<1x2048xf32> -> vector<1x2048xf32>
    %add3A_128 = arith.addf %add3A_102, %dot_general3A_127 : vector<1x2048xf32>
    %get3A_129 = arith.constant 0 : index
    %get3A_130 = arith.constant 1280 : index
    %get3A_131 = arith.constant 0 : index
    %get3A_132 = vector.load %arg2[%get3A_129, %get3A_130, %get3A_131] : memref<1x2048x1xf32, #tpu.memory_space<vmem>>, vector<1x256x1xf32>
    %get3A_133 = vector.shape_cast %get3A_132 : vector<1x256x1xf32> to vector<256x1xf32>
    %iota3A_134 = tpu.iota {dimensions = array<i32: 0>} : vector<256x1xi32>
    %add3A_135 = arith.constant 1280 : i32
    %add3A_136 = vector.broadcast %add3A_135 : i32 to vector<256x1xi32>
    %add3A_137 = arith.addi %iota3A_134, %add3A_136 : vector<256x1xi32>
    %gt3A_138 = vector.broadcast %get3A_133 : vector<256x1xf32> to vector<256x2048xf32>
    %gt3A_139 = vector.broadcast %get3A_3 : vector<1x2048xf32> to vector<256x2048xf32>
    %gt3A_140 = arith.cmpf ogt, %gt3A_138, %gt3A_139 : vector<256x2048xf32>
    %eq3A_141 = vector.broadcast %get3A_133 : vector<256x1xf32> to vector<256x2048xf32>
    %eq3A_142 = vector.broadcast %get3A_3 : vector<1x2048xf32> to vector<256x2048xf32>
    %eq3A_143 = arith.cmpf oeq, %eq3A_141, %eq3A_142 : vector<256x2048xf32>
    %lt3A_144 = vector.broadcast %add3A_137 : vector<256x1xi32> to vector<256x2048xi32>
    %lt3A_145 = vector.broadcast %iota3A : vector<1x2048xi32> to vector<256x2048xi32>
    %lt3A_146 = arith.cmpi slt, %lt3A_144, %lt3A_145 : vector<256x2048xi32>
    %and3A_147 = arith.andi %eq3A_143, %lt3A_146 : vector<256x2048xi1>
    %or3A_148 = arith.ori %gt3A_140, %and3A_147 : vector<256x2048xi1>
    %convert_element_type3A_149 = arith.extui %or3A_148 : vector<256x2048xi1> to vector<256x2048xi32>
    %convert_element_type3A_150 = arith.sitofp %convert_element_type3A_149 : vector<256x2048xi32> to vector<256x2048xf32>
    %convert_element_type3A_151 = arith.truncf %convert_element_type3A_150 : vector<256x2048xf32> to vector<256x2048xbf16>
    %dot_general3A_152 = arith.constant dense<0.000000e+00> : vector<1x2048xf32>
    %dot_general3A_153 = tpu.matmul %broadcast_in_dim3A_4, %convert_element_type3A_151, %dot_general3A_152 {dimension_numbers = #tpu.dot_dimension_numbers<[1], [0], [0], [1], [0, 0, 1, 1], [], []>, transpose_lhs_hint = false} : vector<1x256xbf16>, vector<256x2048xbf16>, vector<1x2048xf32> -> vector<1x2048xf32>
    %add3A_154 = arith.addf %add3A_128, %dot_general3A_153 : vector<1x2048xf32>
    %get3A_155 = arith.constant 0 : index
    %get3A_156 = arith.constant 1536 : index
    %get3A_157 = arith.constant 0 : index
    %get3A_158 = vector.load %arg2[%get3A_155, %get3A_156, %get3A_157] : memref<1x2048x1xf32, #tpu.memory_space<vmem>>, vector<1x256x1xf32>
    %get3A_159 = vector.shape_cast %get3A_158 : vector<1x256x1xf32> to vector<256x1xf32>
    %iota3A_160 = tpu.iota {dimensions = array<i32: 0>} : vector<256x1xi32>
    %add3A_161 = arith.constant 1536 : i32
    %add3A_162 = vector.broadcast %add3A_161 : i32 to vector<256x1xi32>
    %add3A_163 = arith.addi %iota3A_160, %add3A_162 : vector<256x1xi32>
    %gt3A_164 = vector.broadcast %get3A_159 : vector<256x1xf32> to vector<256x2048xf32>
    %gt3A_165 = vector.broadcast %get3A_3 : vector<1x2048xf32> to vector<256x2048xf32>
    %gt3A_166 = arith.cmpf ogt, %gt3A_164, %gt3A_165 : vector<256x2048xf32>
    %eq3A_167 = vector.broadcast %get3A_159 : vector<256x1xf32> to vector<256x2048xf32>
    %eq3A_168 = vector.broadcast %get3A_3 : vector<1x2048xf32> to vector<256x2048xf32>
    %eq3A_169 = arith.cmpf oeq, %eq3A_167, %eq3A_168 : vector<256x2048xf32>
    %lt3A_170 = vector.broadcast %add3A_163 : vector<256x1xi32> to vector<256x2048xi32>
    %lt3A_171 = vector.broadcast %iota3A : vector<1x2048xi32> to vector<256x2048xi32>
    %lt3A_172 = arith.cmpi slt, %lt3A_170, %lt3A_171 : vector<256x2048xi32>
    %and3A_173 = arith.andi %eq3A_169, %lt3A_172 : vector<256x2048xi1>
    %or3A_174 = arith.ori %gt3A_166, %and3A_173 : vector<256x2048xi1>
    %convert_element_type3A_175 = arith.extui %or3A_174 : vector<256x2048xi1> to vector<256x2048xi32>
    %convert_element_type3A_176 = arith.sitofp %convert_element_type3A_175 : vector<256x2048xi32> to vector<256x2048xf32>
    %convert_element_type3A_177 = arith.truncf %convert_element_type3A_176 : vector<256x2048xf32> to vector<256x2048xbf16>
    %dot_general3A_178 = arith.constant dense<0.000000e+00> : vector<1x2048xf32>
    %dot_general3A_179 = tpu.matmul %broadcast_in_dim3A_4, %convert_element_type3A_177, %dot_general3A_178 {dimension_numbers = #tpu.dot_dimension_numbers<[1], [0], [0], [1], [0, 0, 1, 1], [], []>, transpose_lhs_hint = false} : vector<1x256xbf16>, vector<256x2048xbf16>, vector<1x2048xf32> -> vector<1x2048xf32>
    %add3A_180 = arith.addf %add3A_154, %dot_general3A_179 : vector<1x2048xf32>
    %get3A_181 = arith.constant 0 : index
    %get3A_182 = arith.constant 1792 : index
    %get3A_183 = arith.constant 0 : index
    %get3A_184 = vector.load %arg2[%get3A_181, %get3A_182, %get3A_183] : memref<1x2048x1xf32, #tpu.memory_space<vmem>>, vector<1x256x1xf32>
    %get3A_185 = vector.shape_cast %get3A_184 : vector<1x256x1xf32> to vector<256x1xf32>
    %iota3A_186 = tpu.iota {dimensions = array<i32: 0>} : vector<256x1xi32>
    %add3A_187 = arith.constant 1792 : i32
    %add3A_188 = vector.broadcast %add3A_187 : i32 to vector<256x1xi32>
    %add3A_189 = arith.addi %iota3A_186, %add3A_188 : vector<256x1xi32>
    %gt3A_190 = vector.broadcast %get3A_185 : vector<256x1xf32> to vector<256x2048xf32>
    %gt3A_191 = vector.broadcast %get3A_3 : vector<1x2048xf32> to vector<256x2048xf32>
    %gt3A_192 = arith.cmpf ogt, %gt3A_190, %gt3A_191 : vector<256x2048xf32>
    %eq3A_193 = vector.broadcast %get3A_185 : vector<256x1xf32> to vector<256x2048xf32>
    %eq3A_194 = vector.broadcast %get3A_3 : vector<1x2048xf32> to vector<256x2048xf32>
    %eq3A_195 = arith.cmpf oeq, %eq3A_193, %eq3A_194 : vector<256x2048xf32>
    %lt3A_196 = vector.broadcast %add3A_189 : vector<256x1xi32> to vector<256x2048xi32>
    %lt3A_197 = vector.broadcast %iota3A : vector<1x2048xi32> to vector<256x2048xi32>
    %lt3A_198 = arith.cmpi slt, %lt3A_196, %lt3A_197 : vector<256x2048xi32>
    %and3A_199 = arith.andi %eq3A_195, %lt3A_198 : vector<256x2048xi1>
    %or3A_200 = arith.ori %gt3A_192, %and3A_199 : vector<256x2048xi1>
    %convert_element_type3A_201 = arith.extui %or3A_200 : vector<256x2048xi1> to vector<256x2048xi32>
    %convert_element_type3A_202 = arith.sitofp %convert_element_type3A_201 : vector<256x2048xi32> to vector<256x2048xf32>
    %convert_element_type3A_203 = arith.truncf %convert_element_type3A_202 : vector<256x2048xf32> to vector<256x2048xbf16>
    %dot_general3A_204 = arith.constant dense<0.000000e+00> : vector<1x2048xf32>
    %dot_general3A_205 = tpu.matmul %broadcast_in_dim3A_4, %convert_element_type3A_203, %dot_general3A_204 {dimension_numbers = #tpu.dot_dimension_numbers<[1], [0], [0], [1], [0, 0, 1, 1], [], []>, transpose_lhs_hint = false} : vector<1x256xbf16>, vector<256x2048xbf16>, vector<1x2048xf32> -> vector<1x2048xf32>
    %add3A_206 = arith.addf %add3A_180, %dot_general3A_205 : vector<1x2048xf32>
    %get3A_207 = arith.constant 0 : index
    %get3A_208 = arith.constant 0 : index
    %get3A_209 = arith.constant 0 : index
    %get3A_210 = vector.load %arg3[%get3A_207, %get3A_208, %get3A_209] : memref<1x2048x2xf32, #tpu.memory_space<vmem>>, vector<1x2048x2xf32>
    %get3A_211 = vector.shape_cast %get3A_210 : vector<1x2048x2xf32> to vector<2048x2xf32>
    %convert_element_type3A_212 = arith.truncf %get3A_211 : vector<2048x2xf32> to vector<2048x2xbf16>
    %convert_element_type3A_213 = arith.extf %convert_element_type3A_212 : vector<2048x2xbf16> to vector<2048x2xf32>
    %sub3A = arith.subf %get3A_211, %convert_element_type3A_213 : vector<2048x2xf32>
    %convert_element_type3A_214 = arith.truncf %sub3A : vector<2048x2xf32> to vector<2048x2xbf16>
    %convert_element_type3A_215 = arith.extf %convert_element_type3A_214 : vector<2048x2xbf16> to vector<2048x2xf32>
    %sub3A_216 = arith.subf %sub3A, %convert_element_type3A_215 : vector<2048x2xf32>
    %convert_element_type3A_217 = arith.truncf %sub3A_216 : vector<2048x2xf32> to vector<2048x2xbf16>
    %iota3A_218 = tpu.iota {dimensions = array<i32: 0>} : vector<2048x1xi32>
    %jit3A = arith.constant 256 : i32
    %div3A = vector.broadcast %jit3A : i32 to vector<2048x1xi32>
    %div3A_219 = arith.divsi %iota3A_218, %div3A : vector<2048x1xi32>
    %sign3A = arith.constant 0 : i32
    %sign3A_220 = vector.broadcast %sign3A : i32 to vector<2048x1xi32>
    %sign3A_221 = arith.cmpi sgt, %iota3A_218, %sign3A_220 : vector<2048x1xi32>
    %sign3A_222 = arith.extui %sign3A_221 : vector<2048x1xi1> to vector<2048x1xi32>
    %sign3A_223 = arith.constant 0 : i32
    %sign3A_224 = vector.broadcast %sign3A_223 : i32 to vector<2048x1xi32>
    %sign3A_225 = arith.cmpi slt, %iota3A_218, %sign3A_224 : vector<2048x1xi32>
    %sign3A_226 = arith.extui %sign3A_225 : vector<2048x1xi1> to vector<2048x1xi32>
    %sign3A_227 = arith.subi %sign3A_222, %sign3A_226 : vector<2048x1xi32>
    %sign3A_228 = arith.constant 0 : i32
    %sign3A_229 = arith.cmpi sgt, %jit3A, %sign3A_228 : i32
    %sign3A_230 = arith.extui %sign3A_229 : i1 to i32
    %sign3A_231 = arith.constant 0 : i32
    %sign3A_232 = arith.cmpi slt, %jit3A, %sign3A_231 : i32
    %sign3A_233 = arith.extui %sign3A_232 : i1 to i32
    %sign3A_234 = arith.subi %sign3A_230, %sign3A_233 : i32
    %ne3A = vector.broadcast %sign3A_234 : i32 to vector<2048x1xi32>
    %ne3A_235 = arith.cmpi ne, %sign3A_227, %ne3A : vector<2048x1xi32>
    %rem3A = vector.broadcast %jit3A : i32 to vector<2048x1xi32>
    %rem3A_236 = arith.remsi %iota3A_218, %rem3A : vector<2048x1xi32>
    %ne3A_237 = arith.constant 0 : i32
    %ne3A_238 = vector.broadcast %ne3A_237 : i32 to vector<2048x1xi32>
    %ne3A_239 = arith.cmpi ne, %rem3A_236, %ne3A_238 : vector<2048x1xi32>
    %and3A_240 = arith.andi %ne3A_235, %ne3A_239 : vector<2048x1xi1>
    %sub3A_241 = arith.constant 1 : i32
    %sub3A_242 = vector.broadcast %sub3A_241 : i32 to vector<2048x1xi32>
    %sub3A_243 = arith.subi %div3A_219, %sub3A_242 : vector<2048x1xi32>
    %select_n3A = arith.select %and3A_240, %sub3A_243, %div3A_219 : vector<2048x1xi1>, vector<2048x1xi32>
    %convert_element_type3A_244 = arith.sitofp %select_n3A : vector<2048x1xi32> to vector<2048x1xbf16>
    %jit3A_245 = arith.constant 256 : i32
    %eq3A_246 = arith.constant 0 : i32
    %eq3A_247 = arith.cmpi eq, %jit3A_245, %eq3A_246 : i32
    %jit3A_248 = arith.constant 1 : i32
    %select_n3A_249 = arith.select %eq3A_247, %jit3A_248, %jit3A_245 : i32
    %rem3A_250 = vector.broadcast %select_n3A_249 : i32 to vector<2048x1xi32>
    %rem3A_251 = arith.remsi %iota3A_218, %rem3A_250 : vector<2048x1xi32>
    %ne3A_252 = arith.constant 0 : i32
    %ne3A_253 = vector.broadcast %ne3A_252 : i32 to vector<2048x1xi32>
    %ne3A_254 = arith.cmpi ne, %rem3A_251, %ne3A_253 : vector<2048x1xi32>
    %lt3A_255 = arith.constant 0 : i32
    %lt3A_256 = vector.broadcast %lt3A_255 : i32 to vector<2048x1xi32>
    %lt3A_257 = arith.cmpi slt, %rem3A_251, %lt3A_256 : vector<2048x1xi32>
    %lt3A_258 = arith.constant 0 : i32
    %lt3A_259 = arith.cmpi slt, %select_n3A_249, %lt3A_258 : i32
    %ne3A_260 = vector.broadcast %lt3A_259 : i1 to vector<2048x1xi1>
    %ne3A_261 = vector.broadcast %ne3A_260 : vector<2048x1xi1> to vector<2048x1xi1>
    %ne3A_262 = arith.xori %lt3A_257, %ne3A_261 : vector<2048x1xi1>
    %and3A_263 = arith.andi %ne3A_262, %ne3A_254 : vector<2048x1xi1>
    %add3A_264 = vector.broadcast %select_n3A_249 : i32 to vector<2048x1xi32>
    %add3A_265 = arith.addi %rem3A_251, %add3A_264 : vector<2048x1xi32>
    %select_n3A_266 = arith.select %and3A_263, %add3A_265, %rem3A_251 : vector<2048x1xi1>, vector<2048x1xi32>
    %convert_element_type3A_267 = arith.sitofp %select_n3A_266 : vector<2048x1xi32> to vector<2048x1xbf16>
    %concatenate3A = tpu.concatenate %convert_element_type3A_212, %convert_element_type3A_214, %convert_element_type3A_217, %convert_element_type3A_244, %convert_element_type3A_267 in 1 : vector<2048x2xbf16>, vector<2048x2xbf16>, vector<2048x2xbf16>, vector<2048x1xbf16>, vector<2048x1xbf16> -> vector<2048x8xbf16>
    %iota3A_268 = tpu.iota {dimensions = array<i32: 0>} : vector<256x1xi32>
    %add3A_269 = arith.constant 0 : i32
    %add3A_270 = vector.broadcast %add3A_269 : i32 to vector<256x1xi32>
    %add3A_271 = arith.addi %iota3A_268, %add3A_270 : vector<256x1xi32>
    %convert_element_type3A_272 = arith.sitofp %add3A_271 : vector<256x1xi32> to vector<256x1xf32>
    %eq3A_273 = vector.broadcast %add3A_206 : vector<1x2048xf32> to vector<256x2048xf32>
    %eq3A_274 = vector.broadcast %convert_element_type3A_272 : vector<256x1xf32> to vector<256x2048xf32>
    %eq3A_275 = arith.cmpf oeq, %eq3A_273, %eq3A_274 : vector<256x2048xf32>
    %convert_element_type3A_276 = arith.extui %eq3A_275 : vector<256x2048xi1> to vector<256x2048xi32>
    %convert_element_type3A_277 = arith.sitofp %convert_element_type3A_276 : vector<256x2048xi32> to vector<256x2048xf32>
    %convert_element_type3A_278 = arith.truncf %convert_element_type3A_277 : vector<256x2048xf32> to vector<256x2048xbf16>
    %dot_general3A_279 = arith.constant dense<0.000000e+00> : vector<256x8xf32>
    %dot_general3A_280 = tpu.matmul %convert_element_type3A_278, %concatenate3A, %dot_general3A_279 {dimension_numbers = #tpu.dot_dimension_numbers<[1], [0], [0], [1], [0, 0, 1, 1], [], []>, transpose_lhs_hint = false} : vector<256x2048xbf16>, vector<2048x8xbf16>, vector<256x8xf32> -> vector<256x8xf32>
    %slice3A = vector.extract_strided_slice %dot_general3A_280 {offsets = [0, 0], sizes = [256, 2], strides = [1, 1]} : vector<256x8xf32> to vector<256x2xf32>
    %slice3A_281 = vector.extract_strided_slice %dot_general3A_280 {offsets = [0, 2], sizes = [256, 2], strides = [1, 1]} : vector<256x8xf32> to vector<256x2xf32>
    %add3A_282 = arith.addf %slice3A, %slice3A_281 : vector<256x2xf32>
    %slice3A_283 = vector.extract_strided_slice %dot_general3A_280 {offsets = [0, 4], sizes = [256, 2], strides = [1, 1]} : vector<256x8xf32> to vector<256x2xf32>
    %add3A_284 = arith.addf %add3A_282, %slice3A_283 : vector<256x2xf32>
    %swap3A = arith.constant 0 : index
    %swap3A_285 = arith.constant 0 : index
    %swap3A_286 = arith.constant 0 : index
    %swap3A_287 = vector.load %arg4[%swap3A, %swap3A_285, %swap3A_286] : memref<1x2048x2xf32, #tpu.memory_space<vmem>>, vector<1x256x2xf32>
    %swap3A_288 = vector.shape_cast %swap3A_287 : vector<1x256x2xf32> to vector<256x2xf32>
    %swap3A_289 = vector.shape_cast %add3A_284 : vector<256x2xf32> to vector<1x256x2xf32>
    tpu.vector_store %arg4[%swap3A, %swap3A_285, %swap3A_286], %swap3A_289 {strides = array<i32>} : memref<1x2048x2xf32, #tpu.memory_space<vmem>>, vector<1x256x2xf32>,
    %slice3A_290 = vector.extract_strided_slice %dot_general3A_280 {offsets = [0, 6], sizes = [256, 1], strides = [1, 1]} : vector<256x8xf32> to vector<256x1xf32>
    %mul3A = arith.constant 2.560000e+02 : f32
    %mul3A_291 = vector.broadcast %mul3A : f32 to vector<256x1xf32>
    %mul3A_292 = arith.mulf %mul3A_291, %slice3A_290 : vector<256x1xf32>
    %slice3A_293 = vector.extract_strided_slice %dot_general3A_280 {offsets = [0, 7], sizes = [256, 1], strides = [1, 1]} : vector<256x8xf32> to vector<256x1xf32>
    %add3A_294 = arith.addf %mul3A_292, %slice3A_293 : vector<256x1xf32>
    %convert_element_type3A_295 = arith.fptosi %add3A_294 : vector<256x1xf32> to vector<256x1xi32>
    %swap3A_296 = arith.constant 0 : index
    %swap3A_297 = arith.constant 0 : index
    %swap3A_298 = arith.constant 0 : index
    %swap3A_299 = vector.load %arg5[%swap3A_296, %swap3A_297, %swap3A_298] : memref<1x2048x1xi32, #tpu.memory_space<vmem>>, vector<1x256x1xi32>
    %swap3A_300 = vector.shape_cast %swap3A_299 : vector<1x256x1xi32> to vector<256x1xi32>
    %swap3A_301 = vector.shape_cast %convert_element_type3A_295 : vector<256x1xi32> to vector<1x256x1xi32>
    tpu.vector_store %arg5[%swap3A_296, %swap3A_297, %swap3A_298], %swap3A_301 {strides = array<i32>} : memref<1x2048x1xi32, #tpu.memory_space<vmem>>, vector<1x256x1xi32>,
    %iota3A_302 = tpu.iota {dimensions = array<i32: 0>} : vector<256x1xi32>
    %add3A_303 = arith.constant 256 : i32
    %add3A_304 = vector.broadcast %add3A_303 : i32 to vector<256x1xi32>
    %add3A_305 = arith.addi %iota3A_302, %add3A_304 : vector<256x1xi32>
    %convert_element_type3A_306 = arith.sitofp %add3A_305 : vector<256x1xi32> to vector<256x1xf32>
    %eq3A_307 = vector.broadcast %add3A_206 : vector<1x2048xf32> to vector<256x2048xf32>
    %eq3A_308 = vector.broadcast %convert_element_type3A_306 : vector<256x1xf32> to vector<256x2048xf32>
    %eq3A_309 = arith.cmpf oeq, %eq3A_307, %eq3A_308 : vector<256x2048xf32>
    %convert_element_type3A_310 = arith.extui %eq3A_309 : vector<256x2048xi1> to vector<256x2048xi32>
    %convert_element_type3A_311 = arith.sitofp %convert_element_type3A_310 : vector<256x2048xi32> to vector<256x2048xf32>
    %convert_element_type3A_312 = arith.truncf %convert_element_type3A_311 : vector<256x2048xf32> to vector<256x2048xbf16>
    %dot_general3A_313 = arith.constant dense<0.000000e+00> : vector<256x8xf32>
    %dot_general3A_314 = tpu.matmul %convert_element_type3A_312, %concatenate3A, %dot_general3A_313 {dimension_numbers = #tpu.dot_dimension_numbers<[1], [0], [0], [1], [0, 0, 1, 1], [], []>, transpose_lhs_hint = false} : vector<256x2048xbf16>, vector<2048x8xbf16>, vector<256x8xf32> -> vector<256x8xf32>
    %slice3A_315 = vector.extract_strided_slice %dot_general3A_314 {offsets = [0, 0], sizes = [256, 2], strides = [1, 1]} : vector<256x8xf32> to vector<256x2xf32>
    %slice3A_316 = vector.extract_strided_slice %dot_general3A_314 {offsets = [0, 2], sizes = [256, 2], strides = [1, 1]} : vector<256x8xf32> to vector<256x2xf32>
    %add3A_317 = arith.addf %slice3A_315, %slice3A_316 : vector<256x2xf32>
    %slice3A_318 = vector.extract_strided_slice %dot_general3A_314 {offsets = [0, 4], sizes = [256, 2], strides = [1, 1]} : vector<256x8xf32> to vector<256x2xf32>
    %add3A_319 = arith.addf %add3A_317, %slice3A_318 : vector<256x2xf32>
    %swap3A_320 = arith.constant 0 : index
    %swap3A_321 = arith.constant 256 : index
    %swap3A_322 = arith.constant 0 : index
    %swap3A_323 = vector.load %arg4[%swap3A_320, %swap3A_321, %swap3A_322] : memref<1x2048x2xf32, #tpu.memory_space<vmem>>, vector<1x256x2xf32>
    %swap3A_324 = vector.shape_cast %swap3A_323 : vector<1x256x2xf32> to vector<256x2xf32>
    %swap3A_325 = vector.shape_cast %add3A_319 : vector<256x2xf32> to vector<1x256x2xf32>
    tpu.vector_store %arg4[%swap3A_320, %swap3A_321, %swap3A_322], %swap3A_325 {strides = array<i32>} : memref<1x2048x2xf32, #tpu.memory_space<vmem>>, vector<1x256x2xf32>,
    %slice3A_326 = vector.extract_strided_slice %dot_general3A_314 {offsets = [0, 6], sizes = [256, 1], strides = [1, 1]} : vector<256x8xf32> to vector<256x1xf32>
    %mul3A_327 = arith.constant 2.560000e+02 : f32
    %mul3A_328 = vector.broadcast %mul3A_327 : f32 to vector<256x1xf32>
    %mul3A_329 = arith.mulf %mul3A_328, %slice3A_326 : vector<256x1xf32>
    %slice3A_330 = vector.extract_strided_slice %dot_general3A_314 {offsets = [0, 7], sizes = [256, 1], strides = [1, 1]} : vector<256x8xf32> to vector<256x1xf32>
    %add3A_331 = arith.addf %mul3A_329, %slice3A_330 : vector<256x1xf32>
    %convert_element_type3A_332 = arith.fptosi %add3A_331 : vector<256x1xf32> to vector<256x1xi32>
    %swap3A_333 = arith.constant 0 : index
    %swap3A_334 = arith.constant 256 : index
    %swap3A_335 = arith.constant 0 : index
    %swap3A_336 = vector.load %arg5[%swap3A_333, %swap3A_334, %swap3A_335] : memref<1x2048x1xi32, #tpu.memory_space<vmem>>, vector<1x256x1xi32>
    %swap3A_337 = vector.shape_cast %swap3A_336 : vector<1x256x1xi32> to vector<256x1xi32>
    %swap3A_338 = vector.shape_cast %convert_element_type3A_332 : vector<256x1xi32> to vector<1x256x1xi32>
    tpu.vector_store %arg5[%swap3A_333, %swap3A_334, %swap3A_335], %swap3A_338 {strides = array<i32>} : memref<1x2048x1xi32, #tpu.memory_space<vmem>>, vector<1x256x1xi32>,
    %iota3A_339 = tpu.iota {dimensions = array<i32: 0>} : vector<256x1xi32>
    %add3A_340 = arith.constant 512 : i32
    %add3A_341 = vector.broadcast %add3A_340 : i32 to vector<256x1xi32>
    %add3A_342 = arith.addi %iota3A_339, %add3A_341 : vector<256x1xi32>
    %convert_element_type3A_343 = arith.sitofp %add3A_342 : vector<256x1xi32> to vector<256x1xf32>
    %eq3A_344 = vector.broadcast %add3A_206 : vector<1x2048xf32> to vector<256x2048xf32>
    %eq3A_345 = vector.broadcast %convert_element_type3A_343 : vector<256x1xf32> to vector<256x2048xf32>
    %eq3A_346 = arith.cmpf oeq, %eq3A_344, %eq3A_345 : vector<256x2048xf32>
    %convert_element_type3A_347 = arith.extui %eq3A_346 : vector<256x2048xi1> to vector<256x2048xi32>
    %convert_element_type3A_348 = arith.sitofp %convert_element_type3A_347 : vector<256x2048xi32> to vector<256x2048xf32>
    %convert_element_type3A_349 = arith.truncf %convert_element_type3A_348 : vector<256x2048xf32> to vector<256x2048xbf16>
    %dot_general3A_350 = arith.constant dense<0.000000e+00> : vector<256x8xf32>
    %dot_general3A_351 = tpu.matmul %convert_element_type3A_349, %concatenate3A, %dot_general3A_350 {dimension_numbers = #tpu.dot_dimension_numbers<[1], [0], [0], [1], [0, 0, 1, 1], [], []>, transpose_lhs_hint = false} : vector<256x2048xbf16>, vector<2048x8xbf16>, vector<256x8xf32> -> vector<256x8xf32>
    %slice3A_352 = vector.extract_strided_slice %dot_general3A_351 {offsets = [0, 0], sizes = [256, 2], strides = [1, 1]} : vector<256x8xf32> to vector<256x2xf32>
    %slice3A_353 = vector.extract_strided_slice %dot_general3A_351 {offsets = [0, 2], sizes = [256, 2], strides = [1, 1]} : vector<256x8xf32> to vector<256x2xf32>
    %add3A_354 = arith.addf %slice3A_352, %slice3A_353 : vector<256x2xf32>
    %slice3A_355 = vector.extract_strided_slice %dot_general3A_351 {offsets = [0, 4], sizes = [256, 2], strides = [1, 1]} : vector<256x8xf32> to vector<256x2xf32>
    %add3A_356 = arith.addf %add3A_354, %slice3A_355 : vector<256x2xf32>
    %swap3A_357 = arith.constant 0 : index
    %swap3A_358 = arith.constant 512 : index
    %swap3A_359 = arith.constant 0 : index
    %swap3A_360 = vector.load %arg4[%swap3A_357, %swap3A_358, %swap3A_359] : memref<1x2048x2xf32, #tpu.memory_space<vmem>>, vector<1x256x2xf32>
    %swap3A_361 = vector.shape_cast %swap3A_360 : vector<1x256x2xf32> to vector<256x2xf32>
    %swap3A_362 = vector.shape_cast %add3A_356 : vector<256x2xf32> to vector<1x256x2xf32>
    tpu.vector_store %arg4[%swap3A_357, %swap3A_358, %swap3A_359], %swap3A_362 {strides = array<i32>} : memref<1x2048x2xf32, #tpu.memory_space<vmem>>, vector<1x256x2xf32>,
    %slice3A_363 = vector.extract_strided_slice %dot_general3A_351 {offsets = [0, 6], sizes = [256, 1], strides = [1, 1]} : vector<256x8xf32> to vector<256x1xf32>
    %mul3A_364 = arith.constant 2.560000e+02 : f32
    %mul3A_365 = vector.broadcast %mul3A_364 : f32 to vector<256x1xf32>
    %mul3A_366 = arith.mulf %mul3A_365, %slice3A_363 : vector<256x1xf32>
    %slice3A_367 = vector.extract_strided_slice %dot_general3A_351 {offsets = [0, 7], sizes = [256, 1], strides = [1, 1]} : vector<256x8xf32> to vector<256x1xf32>
    %add3A_368 = arith.addf %mul3A_366, %slice3A_367 : vector<256x1xf32>
    %convert_element_type3A_369 = arith.fptosi %add3A_368 : vector<256x1xf32> to vector<256x1xi32>
    %swap3A_370 = arith.constant 0 : index
    %swap3A_371 = arith.constant 512 : index
    %swap3A_372 = arith.constant 0 : index
    %swap3A_373 = vector.load %arg5[%swap3A_370, %swap3A_371, %swap3A_372] : memref<1x2048x1xi32, #tpu.memory_space<vmem>>, vector<1x256x1xi32>
    %swap3A_374 = vector.shape_cast %swap3A_373 : vector<1x256x1xi32> to vector<256x1xi32>
    %swap3A_375 = vector.shape_cast %convert_element_type3A_369 : vector<256x1xi32> to vector<1x256x1xi32>
    tpu.vector_store %arg5[%swap3A_370, %swap3A_371, %swap3A_372], %swap3A_375 {strides = array<i32>} : memref<1x2048x1xi32, #tpu.memory_space<vmem>>, vector<1x256x1xi32>,
    %iota3A_376 = tpu.iota {dimensions = array<i32: 0>} : vector<256x1xi32>
    %add3A_377 = arith.constant 768 : i32
    %add3A_378 = vector.broadcast %add3A_377 : i32 to vector<256x1xi32>
    %add3A_379 = arith.addi %iota3A_376, %add3A_378 : vector<256x1xi32>
    %convert_element_type3A_380 = arith.sitofp %add3A_379 : vector<256x1xi32> to vector<256x1xf32>
    %eq3A_381 = vector.broadcast %add3A_206 : vector<1x2048xf32> to vector<256x2048xf32>
    %eq3A_382 = vector.broadcast %convert_element_type3A_380 : vector<256x1xf32> to vector<256x2048xf32>
    %eq3A_383 = arith.cmpf oeq, %eq3A_381, %eq3A_382 : vector<256x2048xf32>
    %convert_element_type3A_384 = arith.extui %eq3A_383 : vector<256x2048xi1> to vector<256x2048xi32>
    %convert_element_type3A_385 = arith.sitofp %convert_element_type3A_384 : vector<256x2048xi32> to vector<256x2048xf32>
    %convert_element_type3A_386 = arith.truncf %convert_element_type3A_385 : vector<256x2048xf32> to vector<256x2048xbf16>
    %dot_general3A_387 = arith.constant dense<0.000000e+00> : vector<256x8xf32>
    %dot_general3A_388 = tpu.matmul %convert_element_type3A_386, %concatenate3A, %dot_general3A_387 {dimension_numbers = #tpu.dot_dimension_numbers<[1], [0], [0], [1], [0, 0, 1, 1], [], []>, transpose_lhs_hint = false} : vector<256x2048xbf16>, vector<2048x8xbf16>, vector<256x8xf32> -> vector<256x8xf32>
    %slice3A_389 = vector.extract_strided_slice %dot_general3A_388 {offsets = [0, 0], sizes = [256, 2], strides = [1, 1]} : vector<256x8xf32> to vector<256x2xf32>
    %slice3A_390 = vector.extract_strided_slice %dot_general3A_388 {offsets = [0, 2], sizes = [256, 2], strides = [1, 1]} : vector<256x8xf32> to vector<256x2xf32>
    %add3A_391 = arith.addf %slice3A_389, %slice3A_390 : vector<256x2xf32>
    %slice3A_392 = vector.extract_strided_slice %dot_general3A_388 {offsets = [0, 4], sizes = [256, 2], strides = [1, 1]} : vector<256x8xf32> to vector<256x2xf32>
    %add3A_393 = arith.addf %add3A_391, %slice3A_392 : vector<256x2xf32>
    %swap3A_394 = arith.constant 0 : index
    %swap3A_395 = arith.constant 768 : index
    %swap3A_396 = arith.constant 0 : index
    %swap3A_397 = vector.load %arg4[%swap3A_394, %swap3A_395, %swap3A_396] : memref<1x2048x2xf32, #tpu.memory_space<vmem>>, vector<1x256x2xf32>
    %swap3A_398 = vector.shape_cast %swap3A_397 : vector<1x256x2xf32> to vector<256x2xf32>
    %swap3A_399 = vector.shape_cast %add3A_393 : vector<256x2xf32> to vector<1x256x2xf32>
    tpu.vector_store %arg4[%swap3A_394, %swap3A_395, %swap3A_396], %swap3A_399 {strides = array<i32>} : memref<1x2048x2xf32, #tpu.memory_space<vmem>>, vector<1x256x2xf32>,
    %slice3A_400 = vector.extract_strided_slice %dot_general3A_388 {offsets = [0, 6], sizes = [256, 1], strides = [1, 1]} : vector<256x8xf32> to vector<256x1xf32>
    %mul3A_401 = arith.constant 2.560000e+02 : f32
    %mul3A_402 = vector.broadcast %mul3A_401 : f32 to vector<256x1xf32>
    %mul3A_403 = arith.mulf %mul3A_402, %slice3A_400 : vector<256x1xf32>
    %slice3A_404 = vector.extract_strided_slice %dot_general3A_388 {offsets = [0, 7], sizes = [256, 1], strides = [1, 1]} : vector<256x8xf32> to vector<256x1xf32>
    %add3A_405 = arith.addf %mul3A_403, %slice3A_404 : vector<256x1xf32>
    %convert_element_type3A_406 = arith.fptosi %add3A_405 : vector<256x1xf32> to vector<256x1xi32>
    %swap3A_407 = arith.constant 0 : index
    %swap3A_408 = arith.constant 768 : index
    %swap3A_409 = arith.constant 0 : index
    %swap3A_410 = vector.load %arg5[%swap3A_407, %swap3A_408, %swap3A_409] : memref<1x2048x1xi32, #tpu.memory_space<vmem>>, vector<1x256x1xi32>
    %swap3A_411 = vector.shape_cast %swap3A_410 : vector<1x256x1xi32> to vector<256x1xi32>
    %swap3A_412 = vector.shape_cast %convert_element_type3A_406 : vector<256x1xi32> to vector<1x256x1xi32>
    tpu.vector_store %arg5[%swap3A_407, %swap3A_408, %swap3A_409], %swap3A_412 {strides = array<i32>} : memref<1x2048x1xi32, #tpu.memory_space<vmem>>, vector<1x256x1xi32>,
    %iota3A_413 = tpu.iota {dimensions = array<i32: 0>} : vector<256x1xi32>
    %add3A_414 = arith.constant 1024 : i32
    %add3A_415 = vector.broadcast %add3A_414 : i32 to vector<256x1xi32>
    %add3A_416 = arith.addi %iota3A_413, %add3A_415 : vector<256x1xi32>
    %convert_element_type3A_417 = arith.sitofp %add3A_416 : vector<256x1xi32> to vector<256x1xf32>
    %eq3A_418 = vector.broadcast %add3A_206 : vector<1x2048xf32> to vector<256x2048xf32>
    %eq3A_419 = vector.broadcast %convert_element_type3A_417 : vector<256x1xf32> to vector<256x2048xf32>
    %eq3A_420 = arith.cmpf oeq, %eq3A_418, %eq3A_419 : vector<256x2048xf32>
    %convert_element_type3A_421 = arith.extui %eq3A_420 : vector<256x2048xi1> to vector<256x2048xi32>
    %convert_element_type3A_422 = arith.sitofp %convert_element_type3A_421 : vector<256x2048xi32> to vector<256x2048xf32>
    %convert_element_type3A_423 = arith.truncf %convert_element_type3A_422 : vector<256x2048xf32> to vector<256x2048xbf16>
    %dot_general3A_424 = arith.constant dense<0.000000e+00> : vector<256x8xf32>
    %dot_general3A_425 = tpu.matmul %convert_element_type3A_423, %concatenate3A, %dot_general3A_424 {dimension_numbers = #tpu.dot_dimension_numbers<[1], [0], [0], [1], [0, 0, 1, 1], [], []>, transpose_lhs_hint = false} : vector<256x2048xbf16>, vector<2048x8xbf16>, vector<256x8xf32> -> vector<256x8xf32>
    %slice3A_426 = vector.extract_strided_slice %dot_general3A_425 {offsets = [0, 0], sizes = [256, 2], strides = [1, 1]} : vector<256x8xf32> to vector<256x2xf32>
    %slice3A_427 = vector.extract_strided_slice %dot_general3A_425 {offsets = [0, 2], sizes = [256, 2], strides = [1, 1]} : vector<256x8xf32> to vector<256x2xf32>
    %add3A_428 = arith.addf %slice3A_426, %slice3A_427 : vector<256x2xf32>
    %slice3A_429 = vector.extract_strided_slice %dot_general3A_425 {offsets = [0, 4], sizes = [256, 2], strides = [1, 1]} : vector<256x8xf32> to vector<256x2xf32>
    %add3A_430 = arith.addf %add3A_428, %slice3A_429 : vector<256x2xf32>
    %swap3A_431 = arith.constant 0 : index
    %swap3A_432 = arith.constant 1024 : index
    %swap3A_433 = arith.constant 0 : index
    %swap3A_434 = vector.load %arg4[%swap3A_431, %swap3A_432, %swap3A_433] : memref<1x2048x2xf32, #tpu.memory_space<vmem>>, vector<1x256x2xf32>
    %swap3A_435 = vector.shape_cast %swap3A_434 : vector<1x256x2xf32> to vector<256x2xf32>
    %swap3A_436 = vector.shape_cast %add3A_430 : vector<256x2xf32> to vector<1x256x2xf32>
    tpu.vector_store %arg4[%swap3A_431, %swap3A_432, %swap3A_433], %swap3A_436 {strides = array<i32>} : memref<1x2048x2xf32, #tpu.memory_space<vmem>>, vector<1x256x2xf32>,
    %slice3A_437 = vector.extract_strided_slice %dot_general3A_425 {offsets = [0, 6], sizes = [256, 1], strides = [1, 1]} : vector<256x8xf32> to vector<256x1xf32>
    %mul3A_438 = arith.constant 2.560000e+02 : f32
    %mul3A_439 = vector.broadcast %mul3A_438 : f32 to vector<256x1xf32>
    %mul3A_440 = arith.mulf %mul3A_439, %slice3A_437 : vector<256x1xf32>
    %slice3A_441 = vector.extract_strided_slice %dot_general3A_425 {offsets = [0, 7], sizes = [256, 1], strides = [1, 1]} : vector<256x8xf32> to vector<256x1xf32>
    %add3A_442 = arith.addf %mul3A_440, %slice3A_441 : vector<256x1xf32>
    %convert_element_type3A_443 = arith.fptosi %add3A_442 : vector<256x1xf32> to vector<256x1xi32>
    %swap3A_444 = arith.constant 0 : index
    %swap3A_445 = arith.constant 1024 : index
    %swap3A_446 = arith.constant 0 : index
    %swap3A_447 = vector.load %arg5[%swap3A_444, %swap3A_445, %swap3A_446] : memref<1x2048x1xi32, #tpu.memory_space<vmem>>, vector<1x256x1xi32>
    %swap3A_448 = vector.shape_cast %swap3A_447 : vector<1x256x1xi32> to vector<256x1xi32>
    %swap3A_449 = vector.shape_cast %convert_element_type3A_443 : vector<256x1xi32> to vector<1x256x1xi32>
    tpu.vector_store %arg5[%swap3A_444, %swap3A_445, %swap3A_446], %swap3A_449 {strides = array<i32>} : memref<1x2048x1xi32, #tpu.memory_space<vmem>>, vector<1x256x1xi32>,
    %iota3A_450 = tpu.iota {dimensions = array<i32: 0>} : vector<256x1xi32>
    %add3A_451 = arith.constant 1280 : i32
    %add3A_452 = vector.broadcast %add3A_451 : i32 to vector<256x1xi32>
    %add3A_453 = arith.addi %iota3A_450, %add3A_452 : vector<256x1xi32>
    %convert_element_type3A_454 = arith.sitofp %add3A_453 : vector<256x1xi32> to vector<256x1xf32>
    %eq3A_455 = vector.broadcast %add3A_206 : vector<1x2048xf32> to vector<256x2048xf32>
    %eq3A_456 = vector.broadcast %convert_element_type3A_454 : vector<256x1xf32> to vector<256x2048xf32>
    %eq3A_457 = arith.cmpf oeq, %eq3A_455, %eq3A_456 : vector<256x2048xf32>
    %convert_element_type3A_458 = arith.extui %eq3A_457 : vector<256x2048xi1> to vector<256x2048xi32>
    %convert_element_type3A_459 = arith.sitofp %convert_element_type3A_458 : vector<256x2048xi32> to vector<256x2048xf32>
    %convert_element_type3A_460 = arith.truncf %convert_element_type3A_459 : vector<256x2048xf32> to vector<256x2048xbf16>
    %dot_general3A_461 = arith.constant dense<0.000000e+00> : vector<256x8xf32>
    %dot_general3A_462 = tpu.matmul %convert_element_type3A_460, %concatenate3A, %dot_general3A_461 {dimension_numbers = #tpu.dot_dimension_numbers<[1], [0], [0], [1], [0, 0, 1, 1], [], []>, transpose_lhs_hint = false} : vector<256x2048xbf16>, vector<2048x8xbf16>, vector<256x8xf32> -> vector<256x8xf32>
    %slice3A_463 = vector.extract_strided_slice %dot_general3A_462 {offsets = [0, 0], sizes = [256, 2], strides = [1, 1]} : vector<256x8xf32> to vector<256x2xf32>
    %slice3A_464 = vector.extract_strided_slice %dot_general3A_462 {offsets = [0, 2], sizes = [256, 2], strides = [1, 1]} : vector<256x8xf32> to vector<256x2xf32>
    %add3A_465 = arith.addf %slice3A_463, %slice3A_464 : vector<256x2xf32>
    %slice3A_466 = vector.extract_strided_slice %dot_general3A_462 {offsets = [0, 4], sizes = [256, 2], strides = [1, 1]} : vector<256x8xf32> to vector<256x2xf32>
    %add3A_467 = arith.addf %add3A_465, %slice3A_466 : vector<256x2xf32>
    %swap3A_468 = arith.constant 0 : index
    %swap3A_469 = arith.constant 1280 : index
    %swap3A_470 = arith.constant 0 : index
    %swap3A_471 = vector.load %arg4[%swap3A_468, %swap3A_469, %swap3A_470] : memref<1x2048x2xf32, #tpu.memory_space<vmem>>, vector<1x256x2xf32>
    %swap3A_472 = vector.shape_cast %swap3A_471 : vector<1x256x2xf32> to vector<256x2xf32>
    %swap3A_473 = vector.shape_cast %add3A_467 : vector<256x2xf32> to vector<1x256x2xf32>
    tpu.vector_store %arg4[%swap3A_468, %swap3A_469, %swap3A_470], %swap3A_473 {strides = array<i32>} : memref<1x2048x2xf32, #tpu.memory_space<vmem>>, vector<1x256x2xf32>,
    %slice3A_474 = vector.extract_strided_slice %dot_general3A_462 {offsets = [0, 6], sizes = [256, 1], strides = [1, 1]} : vector<256x8xf32> to vector<256x1xf32>
    %mul3A_475 = arith.constant 2.560000e+02 : f32
    %mul3A_476 = vector.broadcast %mul3A_475 : f32 to vector<256x1xf32>
    %mul3A_477 = arith.mulf %mul3A_476, %slice3A_474 : vector<256x1xf32>
    %slice3A_478 = vector.extract_strided_slice %dot_general3A_462 {offsets = [0, 7], sizes = [256, 1], strides = [1, 1]} : vector<256x8xf32> to vector<256x1xf32>
    %add3A_479 = arith.addf %mul3A_477, %slice3A_478 : vector<256x1xf32>
    %convert_element_type3A_480 = arith.fptosi %add3A_479 : vector<256x1xf32> to vector<256x1xi32>
    %swap3A_481 = arith.constant 0 : index
    %swap3A_482 = arith.constant 1280 : index
    %swap3A_483 = arith.constant 0 : index
    %swap3A_484 = vector.load %arg5[%swap3A_481, %swap3A_482, %swap3A_483] : memref<1x2048x1xi32, #tpu.memory_space<vmem>>, vector<1x256x1xi32>
    %swap3A_485 = vector.shape_cast %swap3A_484 : vector<1x256x1xi32> to vector<256x1xi32>
    %swap3A_486 = vector.shape_cast %convert_element_type3A_480 : vector<256x1xi32> to vector<1x256x1xi32>
    tpu.vector_store %arg5[%swap3A_481, %swap3A_482, %swap3A_483], %swap3A_486 {strides = array<i32>} : memref<1x2048x1xi32, #tpu.memory_space<vmem>>, vector<1x256x1xi32>,
    %iota3A_487 = tpu.iota {dimensions = array<i32: 0>} : vector<256x1xi32>
    %add3A_488 = arith.constant 1536 : i32
    %add3A_489 = vector.broadcast %add3A_488 : i32 to vector<256x1xi32>
    %add3A_490 = arith.addi %iota3A_487, %add3A_489 : vector<256x1xi32>
    %convert_element_type3A_491 = arith.sitofp %add3A_490 : vector<256x1xi32> to vector<256x1xf32>
    %eq3A_492 = vector.broadcast %add3A_206 : vector<1x2048xf32> to vector<256x2048xf32>
    %eq3A_493 = vector.broadcast %convert_element_type3A_491 : vector<256x1xf32> to vector<256x2048xf32>
    %eq3A_494 = arith.cmpf oeq, %eq3A_492, %eq3A_493 : vector<256x2048xf32>
    %convert_element_type3A_495 = arith.extui %eq3A_494 : vector<256x2048xi1> to vector<256x2048xi32>
    %convert_element_type3A_496 = arith.sitofp %convert_element_type3A_495 : vector<256x2048xi32> to vector<256x2048xf32>
    %convert_element_type3A_497 = arith.truncf %convert_element_type3A_496 : vector<256x2048xf32> to vector<256x2048xbf16>
    %dot_general3A_498 = arith.constant dense<0.000000e+00> : vector<256x8xf32>
    %dot_general3A_499 = tpu.matmul %convert_element_type3A_497, %concatenate3A, %dot_general3A_498 {dimension_numbers = #tpu.dot_dimension_numbers<[1], [0], [0], [1], [0, 0, 1, 1], [], []>, transpose_lhs_hint = false} : vector<256x2048xbf16>, vector<2048x8xbf16>, vector<256x8xf32> -> vector<256x8xf32>
    %slice3A_500 = vector.extract_strided_slice %dot_general3A_499 {offsets = [0, 0], sizes = [256, 2], strides = [1, 1]} : vector<256x8xf32> to vector<256x2xf32>
    %slice3A_501 = vector.extract_strided_slice %dot_general3A_499 {offsets = [0, 2], sizes = [256, 2], strides = [1, 1]} : vector<256x8xf32> to vector<256x2xf32>
    %add3A_502 = arith.addf %slice3A_500, %slice3A_501 : vector<256x2xf32>
    %slice3A_503 = vector.extract_strided_slice %dot_general3A_499 {offsets = [0, 4], sizes = [256, 2], strides = [1, 1]} : vector<256x8xf32> to vector<256x2xf32>
    %add3A_504 = arith.addf %add3A_502, %slice3A_503 : vector<256x2xf32>
    %swap3A_505 = arith.constant 0 : index
    %swap3A_506 = arith.constant 1536 : index
    %swap3A_507 = arith.constant 0 : index
    %swap3A_508 = vector.load %arg4[%swap3A_505, %swap3A_506, %swap3A_507] : memref<1x2048x2xf32, #tpu.memory_space<vmem>>, vector<1x256x2xf32>
    %swap3A_509 = vector.shape_cast %swap3A_508 : vector<1x256x2xf32> to vector<256x2xf32>
    %swap3A_510 = vector.shape_cast %add3A_504 : vector<256x2xf32> to vector<1x256x2xf32>
    tpu.vector_store %arg4[%swap3A_505, %swap3A_506, %swap3A_507], %swap3A_510 {strides = array<i32>} : memref<1x2048x2xf32, #tpu.memory_space<vmem>>, vector<1x256x2xf32>,
    %slice3A_511 = vector.extract_strided_slice %dot_general3A_499 {offsets = [0, 6], sizes = [256, 1], strides = [1, 1]} : vector<256x8xf32> to vector<256x1xf32>
    %mul3A_512 = arith.constant 2.560000e+02 : f32
    %mul3A_513 = vector.broadcast %mul3A_512 : f32 to vector<256x1xf32>
    %mul3A_514 = arith.mulf %mul3A_513, %slice3A_511 : vector<256x1xf32>
    %slice3A_515 = vector.extract_strided_slice %dot_general3A_499 {offsets = [0, 7], sizes = [256, 1], strides = [1, 1]} : vector<256x8xf32> to vector<256x1xf32>
    %add3A_516 = arith.addf %mul3A_514, %slice3A_515 : vector<256x1xf32>
    %convert_element_type3A_517 = arith.fptosi %add3A_516 : vector<256x1xf32> to vector<256x1xi32>
    %swap3A_518 = arith.constant 0 : index
    %swap3A_519 = arith.constant 1536 : index
    %swap3A_520 = arith.constant 0 : index
    %swap3A_521 = vector.load %arg5[%swap3A_518, %swap3A_519, %swap3A_520] : memref<1x2048x1xi32, #tpu.memory_space<vmem>>, vector<1x256x1xi32>
    %swap3A_522 = vector.shape_cast %swap3A_521 : vector<1x256x1xi32> to vector<256x1xi32>
    %swap3A_523 = vector.shape_cast %convert_element_type3A_517 : vector<256x1xi32> to vector<1x256x1xi32>
    tpu.vector_store %arg5[%swap3A_518, %swap3A_519, %swap3A_520], %swap3A_523 {strides = array<i32>} : memref<1x2048x1xi32, #tpu.memory_space<vmem>>, vector<1x256x1xi32>,
    %iota3A_524 = tpu.iota {dimensions = array<i32: 0>} : vector<256x1xi32>
    %add3A_525 = arith.constant 1792 : i32
    %add3A_526 = vector.broadcast %add3A_525 : i32 to vector<256x1xi32>
    %add3A_527 = arith.addi %iota3A_524, %add3A_526 : vector<256x1xi32>
    %convert_element_type3A_528 = arith.sitofp %add3A_527 : vector<256x1xi32> to vector<256x1xf32>
    %eq3A_529 = vector.broadcast %add3A_206 : vector<1x2048xf32> to vector<256x2048xf32>
    %eq3A_530 = vector.broadcast %convert_element_type3A_528 : vector<256x1xf32> to vector<256x2048xf32>
    %eq3A_531 = arith.cmpf oeq, %eq3A_529, %eq3A_530 : vector<256x2048xf32>
    %convert_element_type3A_532 = arith.extui %eq3A_531 : vector<256x2048xi1> to vector<256x2048xi32>
    %convert_element_type3A_533 = arith.sitofp %convert_element_type3A_532 : vector<256x2048xi32> to vector<256x2048xf32>
    %convert_element_type3A_534 = arith.truncf %convert_element_type3A_533 : vector<256x2048xf32> to vector<256x2048xbf16>
    %dot_general3A_535 = arith.constant dense<0.000000e+00> : vector<256x8xf32>
    %dot_general3A_536 = tpu.matmul %convert_element_type3A_534, %concatenate3A, %dot_general3A_535 {dimension_numbers = #tpu.dot_dimension_numbers<[1], [0], [0], [1], [0, 0, 1, 1], [], []>, transpose_lhs_hint = false} : vector<256x2048xbf16>, vector<2048x8xbf16>, vector<256x8xf32> -> vector<256x8xf32>
    %slice3A_537 = vector.extract_strided_slice %dot_general3A_536 {offsets = [0, 0], sizes = [256, 2], strides = [1, 1]} : vector<256x8xf32> to vector<256x2xf32>
    %slice3A_538 = vector.extract_strided_slice %dot_general3A_536 {offsets = [0, 2], sizes = [256, 2], strides = [1, 1]} : vector<256x8xf32> to vector<256x2xf32>
    %add3A_539 = arith.addf %slice3A_537, %slice3A_538 : vector<256x2xf32>
    %slice3A_540 = vector.extract_strided_slice %dot_general3A_536 {offsets = [0, 4], sizes = [256, 2], strides = [1, 1]} : vector<256x8xf32> to vector<256x2xf32>
    %add3A_541 = arith.addf %add3A_539, %slice3A_540 : vector<256x2xf32>
    %swap3A_542 = arith.constant 0 : index
    %swap3A_543 = arith.constant 1792 : index
    %swap3A_544 = arith.constant 0 : index
    %swap3A_545 = vector.load %arg4[%swap3A_542, %swap3A_543, %swap3A_544] : memref<1x2048x2xf32, #tpu.memory_space<vmem>>, vector<1x256x2xf32>
    %swap3A_546 = vector.shape_cast %swap3A_545 : vector<1x256x2xf32> to vector<256x2xf32>
    %swap3A_547 = vector.shape_cast %add3A_541 : vector<256x2xf32> to vector<1x256x2xf32>
    tpu.vector_store %arg4[%swap3A_542, %swap3A_543, %swap3A_544], %swap3A_547 {strides = array<i32>} : memref<1x2048x2xf32, #tpu.memory_space<vmem>>, vector<1x256x2xf32>,
    %slice3A_548 = vector.extract_strided_slice %dot_general3A_536 {offsets = [0, 6], sizes = [256, 1], strides = [1, 1]} : vector<256x8xf32> to vector<256x1xf32>
    %mul3A_549 = arith.constant 2.560000e+02 : f32
    %mul3A_550 = vector.broadcast %mul3A_549 : f32 to vector<256x1xf32>
    %mul3A_551 = arith.mulf %mul3A_550, %slice3A_548 : vector<256x1xf32>
    %slice3A_552 = vector.extract_strided_slice %dot_general3A_536 {offsets = [0, 7], sizes = [256, 1], strides = [1, 1]} : vector<256x8xf32> to vector<256x1xf32>
    %add3A_553 = arith.addf %mul3A_551, %slice3A_552 : vector<256x1xf32>
    %convert_element_type3A_554 = arith.fptosi %add3A_553 : vector<256x1xf32> to vector<256x1xi32>
    %swap3A_555 = arith.constant 0 : index
    %swap3A_556 = arith.constant 1792 : index
    %swap3A_557 = arith.constant 0 : index
    %swap3A_558 = vector.load %arg5[%swap3A_555, %swap3A_556, %swap3A_557] : memref<1x2048x1xi32, #tpu.memory_space<vmem>>, vector<1x256x1xi32>
    %swap3A_559 = vector.shape_cast %swap3A_558 : vector<1x256x1xi32> to vector<256x1xi32>
    %swap3A_560 = vector.shape_cast %convert_element_type3A_554 : vector<256x1xi32> to vector<1x256x1xi32>
    tpu.vector_store %arg5[%swap3A_555, %swap3A_556, %swap3A_557], %swap3A_560 {strides = array<i32>} : memref<1x2048x1xi32, #tpu.memory_space<vmem>>, vector<1x256x1xi32>,
    return
  }
  func.func @transform_0(%arg0: i32) -> (i32, i32, i32) {
    %c0_i32 = arith.constant 0 : i32
    %c0_i32_0 = arith.constant 0 : i32
    %c0_i32_1 = arith.constant 0 : i32
    return %arg0, %c0_i32, %c0_i32_0 : i32, i32, i32
  }
  func.func @transform_1(%arg0: i32) -> (i32, i32, i32) {
    %c0_i32 = arith.constant 0 : i32
    %c0_i32_0 = arith.constant 0 : i32
    %c0_i32_1 = arith.constant 0 : i32
    return %arg0, %c0_i32, %c0_i32_0 : i32, i32, i32
  }
  func.func @transform_2(%arg0: i32) -> (i32, i32, i32) {
    %c0_i32 = arith.constant 0 : i32
    %c0_i32_0 = arith.constant 0 : i32
    %c0_i32_1 = arith.constant 0 : i32
    return %arg0, %c0_i32, %c0_i32_0 : i32, i32, i32
  }
  func.func @transform_3(%arg0: i32) -> (i32, i32, i32) {
    %c0_i32 = arith.constant 0 : i32
    %c0_i32_0 = arith.constant 0 : i32
    %c0_i32_1 = arith.constant 0 : i32
    return %arg0, %c0_i32, %c0_i32_0 : i32, i32, i32
  }
  func.func @transform_4(%arg0: i32) -> (i32, i32, i32) {
    %c0_i32 = arith.constant 0 : i32
    %c0_i32_0 = arith.constant 0 : i32
    %c0_i32_1 = arith.constant 0 : i32
    return %arg0, %c0_i32, %c0_i32_0 : i32, i32, i32
  }
}

</mosaic_0001>

<sc_bundles>
// kernel: kernel.4.cloned.1.call-start
scs
__scs_entry_jumppad:
0x0: {  	(pc) =	sbr.rel $0x88, $3  }
0x1: {  	(tag) =	ssettag $0x0;
	lr =	simm.s32 $0x1  }
0x2: {  	[smem:$0x3F9F] =	sst lr;
	_ =	strace $0xD0000000  }
0x3: {  	_ = 	snop  }
0x4: {  	_ = 	snop  }
0x5: {  	_ = 	snop  }
0x6: {  	_ = 	snop  }
0x7: {  	_ = 	snop  }
__scs_overlays_trampoline_lowered:
0x8: {  	[smem:$0x3FAE] =	sst s0  }
0x9: {  	[smem:$0x3FAF] =	sst s1  }
0xa: {  	[smem:$0x3FB0] =	sst s2  }
0xb: {  	[smem:$0x3FB1] =	sst s3  }
0xc: {  	[smem:$0x3FB2] =	sst s4  }
0xd: {  	[smem:$0x3FB3] =	sst s5  }
0xe: {  	[smem:$0x3FB4] =	sst s6  }
0xf: {  	[smem:$0x3FB5] =	sst s7  }
0x10: {  	[smem:$0x3FB6] =	sst s8  }
0x11: {  	[smem:$0x3FB7] =	sst s9;
	s0 =	simm.s32 @!p0 $0x0  }
0x12: {  	s1 =	sld [smem:$0x3F9D];
	s0 =	simm.s32 @p0 $0x1  }
0x13: {  	[smem:$0x3FB8] =	sst s0;
	s0 =	simm.s32 @!p1 $0x0  }
0x14: {  	s2 =	sld [smem:$0x3F9C];
	s0 =	simm.s32 @p1 $0x1  }
0x15: {  	[smem:$0x3FB9] =	sst s0;
	s0 =	simm.s32 @!p2 $0x0  }
0x16: {  	s3 =	sld [smem:$0x3FDB];
	s0 =	simm.s32 @p2 $0x1  }
0x17: {  	s4 =	simm.s32 $0x1BF5;
	[smem:$0x3FBB] =	sst s0  }
0x18: {  	s0 =	sld [smem:$0x3F9E];
	_ =	swait.ge [sflag:s4], $0x0  }
0x19: {  	s7 =	sld [smem:$0x3F9F]  }
0x1a: {  	s8 =	sadd.s32 $0xFFFFE003, lr  }
0x1b: {  	s9 =	sadd.s32 $0xFFFFFEF7, lr;
	s5 =	simm.s32 $0xFFFFFFFF;
	p2 =	slt.u32 s8, $0xFFFFF086  }
0x1c: {  	p1 =	slt.u32 s9, $0xF7A;
	s5 =	simm.s32 @!p2 $0x0  }
0x1d: {  	s5 =	simm.s32 @p1 $0x1;
	p0 =	seq.s32 s7, s2  }
0x1e: {  	s7 =	smul.u32 @!p0 $0xF7A, s2;
	p2 =	seq.s32 @!p0 s5, $0x0  }
0x1f: {  	s9 =	smul.u32 $0xF7A, s1;
	s8 =	simm.s32 @!p0 $0x1BF5;
	p2 =	por !p2, p0  }
0x20: {  	[sflag:s8] =	ssyncset.s32 @!p0 $0xFFFFF086;
	s6 =	sadd.s32 @!p0 s3, s7;
	s7 =	simm.s32 @!p0 $0x108  }
0x21: {  	s3 =	sadd.s32 s3, s9;
	s6 =	sadd.s32 @!p0 $0x88, s6;
	s7 =	simm.s32 @p2 $0x1082  }
0x22: {  	[simem:s7], [sflag:s8] =	dma.local @!p0 [hbm:s6], $0xF7A  }
0x23: {  	s9 =	sor.u32 $0xD0000000, s2;
	s6 =	simm.s32 $0x108;
	_ =	swait.ge @!p0 [sflag:s8], $0x0  }
0x24: {  	s3 =	sadd.s32 $0x88, s3;
	s6 =	simm.s32 @!p1 $0x1082;
	[sflag:s4] =	ssyncset.s32 $0xFFFFF086  }
0x25: {  	[simem:s6], [sflag:s4] =	dma.local [hbm:s3], $0xF7A  }
0x26: {  	[smem:$0x3F9F] =	sst s1;
	(tag) =	ssettag s2;
	_ =	strace s9  }
0x27: {  	s1 =	sld [smem:$0x3FAF]  }
0x28: {  	s2 =	sld [smem:$0x3FB0]  }
0x29: {  	s4 =	sld [smem:$0x3FB2]  }
0x2a: {  	p0 =	seq.s32 s5, $0x0;
	s5 =	sld [smem:$0x3FB3]  }
0x2b: {  	s6 =	sld [smem:$0x3FB4]  }
0x2c: {  	s7 =	sld [smem:$0x3FB5]  }
0x2d: {  	s3 =	simm.s32 $0x108;
	s8 =	sld [smem:$0x3FB6]  }
0x2e: {  	s3 =	simm.s32 @!p0 $0x1082;
	s9 =	sld [smem:$0x3FB7]  }
0x2f: {  	lr =	sadd.s32 s0, s3;
	s0 =	sld [smem:$0x3FAE]  }
0x30: {  	s3 =	sld [smem:$0x3FB1]  }
0x31: {  	[smem:$0x3FBA] =	sst s10  }
0x32: {  	s10 =	sld [smem:$0x3FB8];
	_ =	sdelay $0x3  }
0x33: {  	p0 =	seq.s32 s10, $0x1;
	s10 =	sld [smem:$0x3FBA];
	_ =	sdelay $0x3  }
0x34: {  	[smem:$0x3FBA] =	sst s10  }
0x35: {  	s10 =	sld [smem:$0x3FB9];
	_ =	sdelay $0x3  }
0x36: {  	p1 =	seq.s32 s10, $0x1;
	s10 =	sld [smem:$0x3FBA];
	_ =	sdelay $0x3  }
0x37: {  	[smem:$0x3FBA] =	sst s10  }
0x38: {  	s10 =	sld [smem:$0x3FBB]  }
0x39: {  	_ = 	snop;
	(pc) =	sbr.ind lr, $3  }
0x3a: {  	_ = 	snop  }
0x3b: {  	_ = 	snop  }
0x3c: {  	p2 =	seq.s32 s10, $0x1;
	s10 =	sld [smem:$0x3FBA]  }
0x3d: {  	_ =	shalt  }
0x3e: {  	_ =	shalt  }
0x3f: {  	_ =	shalt  }
0x40: {  	_ =	shalt  }
0x41: {  	_ =	shalt  }
0x42: {  	_ =	shalt  }
0x43: {  	_ =	shalt  }
0x44: {  	_ =	shalt  }
0x45: {  	_ =	shalt  }
0x46: {  	_ =	shalt  }
0x47: {  	_ =	shalt  }
0x48: {  	_ =	shalt  }
0x49: {  	_ =	shalt  }
0x4a: {  	_ =	shalt  }
0x4b: {  	_ =	shalt  }
0x4c: {  	_ =	shalt  }
0x4d: {  	_ =	shalt  }
0x4e: {  	_ =	shalt  }
0x4f: {  	_ =	shalt  }
0x50: {  	_ =	shalt  }
0x51: {  	_ =	shalt  }
0x52: {  	_ =	shalt  }
0x53: {  	_ =	shalt  }
0x54: {  	_ =	shalt  }
0x55: {  	_ =	shalt  }
0x56: {  	_ =	shalt  }
0x57: {  	_ =	shalt  }
0x58: {  	_ =	shalt  }
0x59: {  	_ =	shalt  }
0x5a: {  	_ =	shalt  }
0x5b: {  	_ =	shalt  }
0x5c: {  	_ =	shalt  }
0x5d: {  	_ =	shalt  }
0x5e: {  	_ =	shalt  }
0x5f: {  	_ =	shalt  }
0x60: {  	_ =	shalt  }
0x61: {  	_ =	shalt  }
0x62: {  	_ =	shalt  }
0x63: {  	_ =	shalt  }
0x64: {  	_ =	shalt  }
0x65: {  	_ =	shalt  }
0x66: {  	_ =	shalt  }
0x67: {  	_ =	shalt  }
0x68: {  	_ =	shalt  }
0x69: {  	_ =	shalt  }
0x6a: {  	_ =	shalt  }
0x6b: {  	_ =	shalt  }
0x6c: {  	_ =	shalt  }
0x6d: {  	_ =	shalt  }
0x6e: {  	_ =	shalt  }
0x6f: {  	_ =	shalt  }
0x70: {  	_ =	shalt  }
0x71: {  	_ =	shalt  }
0x72: {  	_ =	shalt  }
0x73: {  	_ =	shalt  }
0x74: {  	_ =	shalt  }
0x75: {  	_ =	shalt  }
0x76: {  	_ =	shalt  }
0x77: {  	_ =	shalt  }
0x78: {  	_ =	shalt  }
0x79: {  	_ =	shalt  }
0x7a: {  	_ =	shalt  }
0x7b: {  	_ =	shalt  }
0x7c: {  	_ =	shalt  }
0x7d: {  	_ =	shalt  }
0x7e: {  	_ =	shalt  }
0x7f: {  	_ =	shalt  }
0x80: {  	_ =	shalt  }
0x81: {  	_ =	shalt  }
0x82: {  	_ =	shalt  }
0x83: {  	_ =	shalt  }
0x84: {  	_ =	shalt  }
0x85: {  	_ =	shalt  }
0x86: {  	_ =	shalt  }
0x87: {  	_ =	shalt  }
.Lfunc_end0:
.L_simem_size_0:
called_computation_lowered:
.L_overlay_start_0:
0x88: {  	s2 =	sld [smem:$0x3FD9]  }
0x89: {  	s3 =	sld [smem:$0x3FFE];
	_ =	sdelay $0x1  }
0x8a: {  	s1 =	srdreg.scid  }
0x8b: {  	s0 =	sand.u32 $0x1, s1  }
0x8c: {  	s14 =	sshll.u32 s0, $0xA;
	s2 =	sadd.s32 s3, s2  }
0x8d: {  	s2 =	sadd.s32 s2, s14  }
0x8e: {  	[smem:$0x3FC6] =	sst s2  }
0x8f: {  	_ = 	snop  }
0x90: {  	s2 =	sld [smem:$0x3FD0];
	_ =	sdelay $0x2  }
0x91: {  	s4 =	simm.s32 $0xA;
	s5 =	simm.s32 $0x10;
	s15 =	sld [smem:$0x3FC9]  }
0x92: {  	[smem:s5], [sflag:s4] =	dma.local [hbm:s2], $0x1  }
0x93: {  	_ =	swait.eq [sflag:s4], $0x1  }
0x94: {  	[sflag:s4] =	ssyncset.done $0x0  }
0x95: {  	[sflag:s4] =	ssyncadd.s32 $0xFFFFFFFF  }
0x96: {  	s16 =	sld [smem:$0x10];
	(tm) =	ssettm $0x1  }
0x97: {  	s17 =	sld [smem:$0x3FFB];
	_ =	sdelay $0x3  }
0x98: {  	_ =	strace s17  }
0x99: {  	s4 =	sld [smem:$0x3FFC];
	_ =	sdelay $0x3  }
0x9a: {  	_ =	strace s4  }
0x9b: {  	s4 =	sld [smem:$0x3FFD];
	_ =	sdelay $0x3  }
0x9c: {  	_ =	strace s4  }
0x9d: {  	_ =	strace $0x8FFFFFFF  }
0x9e: {  	s18 =	sld [smem:$0x3FDB];
	_ =	sdelay $0x1  }
0x9f: {  	s19 =	simm.s32 $_scs_section_size  }
0xa0: {  	s6 =	simm.s32 $_size__tile_overlayer_lowered;
	s7 =	simm.s32 $_tile_overlayer_lowered  }
0xa1: {  	s22 =	simm.s32 $0x1BFF;
	s21 =	sshll.u32 s7, $0x1;
	s4 =	sadd.s32 s19, s18  }
0xa2: {  	s8 =	simm.s32 $0x0;
	s20 =	sshll.u32 s6, $0x1;
	s6 =	sadd.s32 s21, s4  }
0xa3: {  	[timem:s8], [sflag:s22] =	dma.local [hbm:s6], s20  }
0xa4: {  	_ =	swait.ge [sflag:s22], s20  }
0xa5: {  	s5 =	ssub.s32 $0x0, s20;
	[sflag:s22] =	ssyncset.done $0x0  }
0xa6: {  	[sflag:s22] =	ssyncadd.s32 s5;
	_ =	sdelay $0x1  }
0xa7: {  	s23 =	simm.s32 $0x1B8B  }
0xa8: {  	_ =	swait.ge [sflag:s23], $0x1  }
0xa9: {  	[sflag:s23] =	ssyncset.done $0x0  }
0xaa: {  	s25 =	simm.s32 $0x1B8E;
	s24 =	sld [smem:$0x3FFE];
	[sflag:s23] =	ssyncadd.s32 $0xFFFFFFFF  }
0xab: {  	s26 =	simm.s32 $execute0_lowered;
	[smem:$0x3FD2] =	sst s25  }
0xac: {  	s6 =	sshll.u32 s26, $0x1;
	_ =	strace $0x80000046;
	[dreg:$0x1] =	wrdreg $0xFFFFFFFF  }
0xad: {  	s28 =	simm.s32 $_size_execute0_lowered;
	s4 =	sadd.s32 s4, s6;
	[dreg:$0x0] =	wrdreg $0x0  }
0xae: {  	s6 =	sshll.u32 s28, $0x1;
	[dreg:$0x2] =	wrdreg s4  }
0xaf: {  	[dreg:$0x3] =	wrdreg s6  }
0xb0: {  	[dreg:$0x4] =	wrdreg $0xC0  }
0xb1: {  	_ =	task [dreg:s8], $0x5FFFF  }
0xb2: {  	[dreg:$0x1] =	wrdreg $0xFFFFFFFF  }
0xb3: {  	[dreg:$0x0] =	wrdreg $0x60  }
0xb4: {  	[dreg:$0x2] =	wrdreg s15  }
0xb5: {  	[dreg:$0x3] =	wrdreg s24  }
0xb6: {  	[dreg:$0x4] =	wrdreg s16  }
0xb7: {  	[dreg:$0x5] =	wrdreg $0x9  }
0xb8: {  	_ =	task.clear_ibuf [dreg:s8], $0x6FFFF;
	_ =	strace $0x90000046  }
0xb9: {  	s29 =	simm.s32 $0x9;
	_ =	strace $0x80000048  }
0xba: {  	_ =	swait.ge [sflag:s29], $0x1  }
0xbb: {  	[sflag:s29] =	ssyncadd.s32 $0xFFFFFFFF  }
0xbc: {  	_ =	strace $0x90000048  }
0xbd: {  	_ =	sfence  }
0xbe: {  	s30 =	sld [smem:$0x0];
	_ =	sdelay $0x2  }
0xbf: {  	s31 =	sshll.u32 s1, $0xD;
	s1 =	sshrl.u32 s1, $0x2  }
0xc0: {  	s3 =	sand.u32 $0x4000, s31;
	s1 =	sadd.s32 s1, s30  }
0xc1: {  	s0 =	sor.u32 s3, s0;
	s1 =	sshll.u32 s1, $0x11  }
0xc2: {  	s0 =	sor.u32 s1, s0  }
0xc3: {  	s0 =	sadd.s32 $0x8F2B, s0  }
0xc4: {  	[sflag:s0] =	ssyncadd.remote.s32 $0x1  }
0xc5: {  	_ =	sfence.sel $0xFFFF  }
0xc6: {  	[dreg:$0x0] =	wrdreg $0xFFFFFFFF;
	(pc) =	sbr.abs _section_cstart, $3  }
0xc7: {  	[dreg:$0x1] =	wrdreg $0xFFFFFFFF  }
0xc8: {  	_ =	task.clear_ibuf [dreg:s8], $0x2FFFF;
	_ =	strace $0x9FFFFFFF  }
0xc9: {  	(tm) =	ssettm $0x7FFFFFFF  }
tec
execute0_lowered:
.L_overlay_start_1:
0x0: {  	(tag) =	ssettag $0x1  }
0x1: {  	s0 =	rddreg [dreg:$0x0]  }
0x2: {  	s1 =	rddreg [dreg:$0x1]  }
0x3: {  	s3 =	rddreg [dreg:$0x2];
	s2 =	simm.s32 $0x0;
	s4 =	srdreg.scid  }
0x4: {  	s7 =	stileid.u32;
	s28 =	simm.s32 $0x2;
	s29 =	simm.s32 $0x4  }
0x5: {  	[smem:$0x7FF] =	sst s2;
	s4 =	sand.u32 $0x1, s4;
	s5 =	sshll.u32 s7, $0x1  }
0x6: {  	s7 =	sshrl.u32 s7, $0x2;
	_ =	strace $0x80000047;
	s6 =	ssub.s32 $0x2, s4  }
0x7: {  	s5 =	sand.u32 $0x6, s5;
	s13 =	sshll.u32 s7, $0x4;
	s16 =	sshll.u32 s7, $0x13  }
0x8: {  	s17 =	sshll.u32 s7, $0x12;
	s8 =	sshrl.u32 s6, $0x1;
	s4 =	sor.u32 s4, s5  }
0x9: {  	s1 =	sadd.s32 s1, s13;
	s5 =	simm.s32 $0x80;
	s6 =	ssub.s32 s6, s8  }
0xa: {  	s14 =	sshll.u32 s4, $0x6;
	s15 =	sshll.u32 s4, $0xF;
	s4 =	sadd.s32 s0, s16  }
0xb: {  	s1 =	sadd.s32 s14, s1;
	s14 =	sadd.s32 s3, s17;
	s18 =	sor.u32 $0x1000, s15  }
0xc: {  	s19 =	sor.u32 $0x2000, s15;
	s20 =	sor.u32 $0x3000, s15;
	s21 =	sor.u32 $0x4000, s15  }
0xd: {  	s22 =	sor.u32 $0x5000, s15;
	s10 =	sor.u32 $0x6000, s15;
	[dreg:$0xc] =	wrdreg s15  }
0xe: {  	s12 =	sor.u32 $0x7000, s15;
	s6 =	smax.u32 s6, $0x1;
	[dreg:$0x4] =	wrdreg s1  }
0xf: {  	s9 =	sadd.s32 $0x100, s4;
	s0 =	sadd.s32 s14, s18;
	[dreg:$0xd] =	wrdreg s14  }
0x10: {  	s11 =	sadd.s32 $0x200, s4;
	s23 =	sadd.s32 s14, s19;
	[dreg:$0x5] =	wrdreg s0  }
0x11: {  	s13 =	sadd.s32 $0x300, s4;
	s24 =	sadd.s32 s14, s20;
	[dreg:$0x6] =	wrdreg s23  }
0x12: {  	s15 =	sadd.s32 $0x400, s4;
	s25 =	sadd.s32 s14, s21;
	[dreg:$0x7] =	wrdreg s24  }
0x13: {  	s17 =	sadd.s32 $0x500, s4;
	s26 =	sadd.s32 s14, s22;
	[dreg:$0x8] =	wrdreg s25  }
0x14: {  	v2 =	vlaneseq.u32;
	s3 =	simm.s32 $0x8080;
	s30 =	sadd.s32 s14, s10;
	[dreg:$0x9] =	wrdreg s26  }
0x15: {  	vm0 =	vmmov $0xffff;
	v1 =	vshrl.u32 v2, $0x3;
	s19 =	sadd.s32 $0x600, s4;
	s31 =	sadd.s32 s14, s12;
	[dreg:$0xa] =	wrdreg s30  }
0x16: {  	v0 =	vand.u32 $0x7, v2;
	v2 =	vor.u32 $0x8, v2;
	v1 =	vmul.u32 $0x8, v1;
	[dreg:$0xb] =	wrdreg s31;
	s25 =	simm.s32 $0x1;
	s26 =	simm.s32 $0x3  }
.LBB2_1:
0x17: {  	s30 =	rddreg [dreg:$0x4];
	s0 =	simm.s32 $0x5  }
0x18: {  	[tilespmem:s2], [sflag:$0x5] =	stream.linear.gather [hbm4b:s30+s2], $0x80, $0x38;
	[tilespmem:$0x10080] =	vst v63  }
0x19: {  	_ =	swait.ge [sflag:s0], $0x80  }
0x1a: {  	[sflag:s0] =	ssyncset.done $0x0  }
0x1b: {  	[sflag:s0] =	ssyncadd.s32 $0xFFFFFF80  }
0x1c: {  	v3 =	vld [tilespmem:$0x0];
	_ =	sdelay $0x4  }
0x1d: {  	v4 =	vshll.u32 v3, $0x4  }
0x1e: {  	v3 =	vand.u32 $0x7, v3;
	v4 =	vand.u32 $0xFFFFFF80, v4  }
0x1f: {  	v3 =	vor.u32 v3, v4  }
0x20: {  	v4 =	vperm.xlane v3, v0;
	_ =	sdelay $0x1  }
0x21: {  	v4 =	vadd.s32 v1, v4;
	_ =	sdelay $0x4  }
0x22: {  	[tilespmem:s5], [sflag:$0x1] =	stream.indirect_vreg.gather [hbm4b:s4+s2], $0x80, v4, vm0, $0xb8;
	[tilespmem:$0x10080] =	vst v63  }
0x23: {  	s12 =	simm.s32 $0x880  }
0x24: {  	[tilespmem:s12], [sflag:$0x1] =	stream.indirect_vreg.gather [hbm4b:s9+s2], $0x80, v4, vm0, $0xb8;
	[tilespmem:$0x10080] =	vst v63  }
0x25: {  	s14 =	simm.s32 $0x1080  }
0x26: {  	[tilespmem:s14], [sflag:$0x1] =	stream.indirect_vreg.gather [hbm4b:s11+s2], $0x80, v4, vm0, $0xb8;
	[tilespmem:$0x10080] =	vst v63  }
0x27: {  	s16 =	simm.s32 $0x1880  }
0x28: {  	[tilespmem:s16], [sflag:$0x1] =	stream.indirect_vreg.gather [hbm4b:s13+s2], $0x80, v4, vm0, $0xb8;
	[tilespmem:$0x10080] =	vst v63  }
0x29: {  	s18 =	simm.s32 $0x2080  }
0x2a: {  	[tilespmem:s18], [sflag:$0x1] =	stream.indirect_vreg.gather [hbm4b:s15+s2], $0x80, v4, vm0, $0xb8;
	[tilespmem:$0x10080] =	vst v63  }
0x2b: {  	s20 =	simm.s32 $0x2880;
	v3 =	vperm.xlane v3, v2  }
0x2c: {  	[tilespmem:s20], [sflag:$0x1] =	stream.indirect_vreg.gather [hbm4b:s17+s2], $0x80, v4, vm0, $0xb8;
	[tilespmem:$0x10080] =	vst v63  }
0x2d: {  	s21 =	simm.s32 $0x3080;
	v3 =	vadd.s32 v1, v3  }
0x2e: {  	[tilespmem:s21], [sflag:$0x1] =	stream.indirect_vreg.gather [hbm4b:s19+s2], $0x80, v4, vm0, $0xb8;
	[tilespmem:$0x10080] =	vst v63  }
0x2f: {  	s22 =	simm.s32 $0x3880;
	s30 =	sadd.s32 $0x700, s4  }
0x30: {  	[tilespmem:s22], [sflag:$0x1] =	stream.indirect_vreg.gather [hbm4b:s30+s2], $0x80, v4, vm0, $0xb8;
	[tilespmem:$0x10080] =	vst v63  }
0x31: {  	s23 =	simm.s32 $0x4080  }
0x32: {  	[tilespmem:s23], [sflag:$0x1] =	stream.indirect_vreg.gather [hbm4b:s4+s2], $0x80, v3, vm0, $0xb8;
	[tilespmem:$0x10080] =	vst v63  }
0x33: {  	s31 =	simm.s32 $0x4880  }
0x34: {  	[tilespmem:s31], [sflag:$0x1] =	stream.indirect_vreg.gather [hbm4b:s9+s2], $0x80, v3, vm0, $0xb8;
	[tilespmem:$0x10080] =	vst v63  }
0x35: {  	s1 =	simm.s32 $0x5080  }
0x36: {  	[tilespmem:s1], [sflag:$0x1] =	stream.indirect_vreg.gather [hbm4b:s11+s2], $0x80, v3, vm0, $0xb8;
	[tilespmem:$0x10080] =	vst v63  }
0x37: {  	s8 =	simm.s32 $0x5880  }
0x38: {  	[tilespmem:s8], [sflag:$0x1] =	stream.indirect_vreg.gather [hbm4b:s13+s2], $0x80, v3, vm0, $0xb8;
	[tilespmem:$0x10080] =	vst v63  }
0x39: {  	s10 =	simm.s32 $0x6080  }
0x3a: {  	[tilespmem:s10], [sflag:$0x1] =	stream.indirect_vreg.gather [hbm4b:s15+s2], $0x80, v3, vm0, $0xb8;
	[tilespmem:$0x10080] =	vst v63  }
0x3b: {  	s31 =	simm.s32 $0x6880  }
0x3c: {  	[tilespmem:s31], [sflag:$0x1] =	stream.indirect_vreg.gather [hbm4b:s17+s2], $0x80, v3, vm0, $0xb8;
	[tilespmem:$0x10080] =	vst v63  }
0x3d: {  	s1 =	simm.s32 $0x7080  }
0x3e: {  	[tilespmem:s1], [sflag:$0x1] =	stream.indirect_vreg.gather [hbm4b:s19+s2], $0x80, v3, vm0, $0xb8;
	[tilespmem:$0x10080] =	vst v63  }
0x3f: {  	s8 =	simm.s32 $0x7880  }
0x40: {  	[tilespmem:s8], [sflag:$0x1] =	stream.indirect_vreg.gather [hbm4b:s30+s2], $0x80, v3, vm0, $0xb8;
	[tilespmem:$0x10080] =	vst v63  }
0x41: {  	v3 =	vld [tilespmem:$0x10];
	_ =	sdelay $0x4  }
0x42: {  	v57 =	vshll.u32 v3, $0x4  }
0x43: {  	v3 =	vand.u32 $0x7, v3;
	v4 =	vand.u32 $0xFFFFFF80, v57  }
0x44: {  	v3 =	vor.u32 v3, v4  }
0x45: {  	v4 =	vperm.xlane v3, v0;
	_ =	sdelay $0x1  }
0x46: {  	v4 =	vadd.s32 v1, v4;
	_ =	sdelay $0x4  }
0x47: {  	[tilespmem:s3], [sflag:$0x2] =	stream.indirect_vreg.gather [hbm4b:s4+s2], $0x80, v4, vm0, $0xb8;
	[tilespmem:$0x10080] =	vst v63  }
0x48: {  	s10 =	simm.s32 $0x8880  }
0x49: {  	[tilespmem:s10], [sflag:$0x2] =	stream.indirect_vreg.gather [hbm4b:s9+s2], $0x80, v4, vm0, $0xb8;
	[tilespmem:$0x10080] =	vst v63  }
0x4a: {  	s31 =	simm.s32 $0x9080  }
0x4b: {  	[tilespmem:s31], [sflag:$0x2] =	stream.indirect_vreg.gather [hbm4b:s11+s2], $0x80, v4, vm0, $0xb8;
	[tilespmem:$0x10080] =	vst v63  }
0x4c: {  	s1 =	simm.s32 $0x9880  }
0x4d: {  	[tilespmem:s1], [sflag:$0x2] =	stream.indirect_vreg.gather [hbm4b:s13+s2], $0x80, v4, vm0, $0xb8;
	[tilespmem:$0x10080] =	vst v63  }
0x4e: {  	s8 =	simm.s32 $0xA080  }
0x4f: {  	[tilespmem:s8], [sflag:$0x2] =	stream.indirect_vreg.gather [hbm4b:s15+s2], $0x80, v4, vm0, $0xb8;
	[tilespmem:$0x10080] =	vst v63  }
0x50: {  	v3 =	vperm.xlane v3, v2;
	s10 =	simm.s32 $0xA880  }
0x51: {  	[tilespmem:s10], [sflag:$0x2] =	stream.indirect_vreg.gather [hbm4b:s17+s2], $0x80, v4, vm0, $0xb8;
	[tilespmem:$0x10080] =	vst v63  }
0x52: {  	v3 =	vadd.s32 v1, v3;
	s31 =	simm.s32 $0xB080  }
0x53: {  	[tilespmem:s31], [sflag:$0x2] =	stream.indirect_vreg.gather [hbm4b:s19+s2], $0x80, v4, vm0, $0xb8;
	[tilespmem:$0x10080] =	vst v63  }
0x54: {  	s1 =	simm.s32 $0xB880  }
0x55: {  	[tilespmem:s1], [sflag:$0x2] =	stream.indirect_vreg.gather [hbm4b:s30+s2], $0x80, v4, vm0, $0xb8;
	[tilespmem:$0x10080] =	vst v63  }
0x56: {  	s31 =	simm.s32 $0xC080  }
0x57: {  	[tilespmem:s31], [sflag:$0x2] =	stream.indirect_vreg.gather [hbm4b:s4+s2], $0x80, v3, vm0, $0xb8;
	[tilespmem:$0x10080] =	vst v63  }
0x58: {  	s1 =	simm.s32 $0xC880  }
0x59: {  	[tilespmem:s1], [sflag:$0x2] =	stream.indirect_vreg.gather [hbm4b:s9+s2], $0x80, v3, vm0, $0xb8;
	[tilespmem:$0x10080] =	vst v63  }
0x5a: {  	s31 =	simm.s32 $0xD080  }
0x5b: {  	[tilespmem:s31], [sflag:$0x2] =	stream.indirect_vreg.gather [hbm4b:s11+s2], $0x80, v3, vm0, $0xb8;
	[tilespmem:$0x10080] =	vst v63  }
0x5c: {  	s1 =	simm.s32 $0xD880  }
0x5d: {  	[tilespmem:s1], [sflag:$0x2] =	stream.indirect_vreg.gather [hbm4b:s13+s2], $0x80, v3, vm0, $0xb8;
	[tilespmem:$0x10080] =	vst v63  }
0x5e: {  	s31 =	simm.s32 $0xE080  }
0x5f: {  	[tilespmem:s31], [sflag:$0x2] =	stream.indirect_vreg.gather [hbm4b:s15+s2], $0x80, v3, vm0, $0xb8;
	[tilespmem:$0x10080] =	vst v63  }
0x60: {  	s1 =	simm.s32 $0xE880  }
0x61: {  	[tilespmem:s1], [sflag:$0x2] =	stream.indirect_vreg.gather [hbm4b:s17+s2], $0x80, v3, vm0, $0xb8;
	[tilespmem:$0x10080] =	vst v63  }
0x62: {  	s31 =	simm.s32 $0xF080  }
0x63: {  	[tilespmem:s31], [sflag:$0x2] =	stream.indirect_vreg.gather [hbm4b:s19+s2], $0x80, v3, vm0, $0xb8;
	[tilespmem:$0x10080] =	vst v63  }
0x64: {  	s1 =	simm.s32 $0xF880  }
0x65: {  	[tilespmem:s1], [sflag:$0x2] =	stream.indirect_vreg.gather [hbm4b:s30+s2], $0x80, v3, vm0, $0xb8;
	[tilespmem:$0x10080] =	vst v63  }
0x66: {  	_ =	swait.ge [sflag:s25], $0x8000  }
0x67: {  	s31 =	rddreg [dreg:$0xc]  }
0x68: {  	[sflag:s25] =	ssyncset.done $0x0;
	s1 =	rddreg [dreg:$0xd]  }
0x69: {  	[sflag:s25] =	ssyncadd.s32 $0xFFFF8000;
	s0 =	sadd.s32 s31, s1  }
0x6a: {  	[hbm4b:s0+s2] =	stream.linear.scatter [tilespmem:s5], [sflag:$0x3], $0x8000, $0x38;
	[tilespmem:$0x10080] =	vst v63  }
0x6b: {  	_ =	swait.ge [sflag:s26], $0x8000  }
0x6c: {  	[sflag:s26] =	ssyncset.done $0x0  }
0x6d: {  	[sflag:s26] =	ssyncadd.s32 $0xFFFF8000  }
0x6e: {  	v3 =	vld [tilespmem:$0x20];
	_ =	sdelay $0x4  }
0x6f: {  	v58 =	vshll.u32 v3, $0x4  }
0x70: {  	v3 =	vand.u32 $0x7, v3;
	v4 =	vand.u32 $0xFFFFFF80, v58  }
0x71: {  	v3 =	vor.u32 v3, v4  }
0x72: {  	v4 =	vperm.xlane v3, v0;
	_ =	sdelay $0x1  }
0x73: {  	v4 =	vadd.s32 v1, v4;
	_ =	sdelay $0x4  }
0x74: {  	[tilespmem:s5], [sflag:$0x1] =	stream.indirect_vreg.gather [hbm4b:s4+s2], $0x80, v4, vm0, $0xb8;
	[tilespmem:$0x10080] =	vst v63  }
0x75: {  	s24 =	simm.s32 $0x880  }
0x76: {  	[tilespmem:s24], [sflag:$0x1] =	stream.indirect_vreg.gather [hbm4b:s9+s2], $0x80, v4, vm0, $0xb8;
	[tilespmem:$0x10080] =	vst v63  }
0x77: {  	s7 =	simm.s32 $0x1080  }
0x78: {  	[tilespmem:s7], [sflag:$0x1] =	stream.indirect_vreg.gather [hbm4b:s11+s2], $0x80, v4, vm0, $0xb8;
	[tilespmem:$0x10080] =	vst v63  }
0x79: {  	s12 =	simm.s32 $0x1880  }
0x7a: {  	[tilespmem:s12], [sflag:$0x1] =	stream.indirect_vreg.gather [hbm4b:s13+s2], $0x80, v4, vm0, $0xb8;
	[tilespmem:$0x10080] =	vst v63  }
0x7b: {  	s14 =	simm.s32 $0x2080  }
0x7c: {  	[tilespmem:s14], [sflag:$0x1] =	stream.indirect_vreg.gather [hbm4b:s15+s2], $0x80, v4, vm0, $0xb8;
	[tilespmem:$0x10080] =	vst v63  }
0x7d: {  	s16 =	simm.s32 $0x2880;
	v3 =	vperm.xlane v3, v2  }
0x7e: {  	[tilespmem:s16], [sflag:$0x1] =	stream.indirect_vreg.gather [hbm4b:s17+s2], $0x80, v4, vm0, $0xb8;
	[tilespmem:$0x10080] =	vst v63  }
0x7f: {  	s18 =	simm.s32 $0x3080;
	v3 =	vadd.s32 v1, v3  }
0x80: {  	[tilespmem:s18], [sflag:$0x1] =	stream.indirect_vreg.gather [hbm4b:s19+s2], $0x80, v4, vm0, $0xb8;
	[tilespmem:$0x10080] =	vst v63  }
0x81: {  	s20 =	simm.s32 $0x3880  }
0x82: {  	[tilespmem:s20], [sflag:$0x1] =	stream.indirect_vreg.gather [hbm4b:s30+s2], $0x80, v4, vm0, $0xb8;
	[tilespmem:$0x10080] =	vst v63  }
0x83: {  	s21 =	simm.s32 $0x4080  }
0x84: {  	[tilespmem:s21], [sflag:$0x1] =	stream.indirect_vreg.gather [hbm4b:s4+s2], $0x80, v3, vm0, $0xb8;
	[tilespmem:$0x10080] =	vst v63  }
0x85: {  	s22 =	simm.s32 $0x4880  }
0x86: {  	[tilespmem:s22], [sflag:$0x1] =	stream.indirect_vreg.gather [hbm4b:s9+s2], $0x80, v3, vm0, $0xb8;
	[tilespmem:$0x10080] =	vst v63  }
0x87: {  	s23 =	simm.s32 $0x5080  }
0x88: {  	[tilespmem:s23], [sflag:$0x1] =	stream.indirect_vreg.gather [hbm4b:s11+s2], $0x80, v3, vm0, $0xb8;
	[tilespmem:$0x10080] =	vst v63  }
0x89: {  	s31 =	simm.s32 $0x5880  }
0x8a: {  	[tilespmem:s31], [sflag:$0x1] =	stream.indirect_vreg.gather [hbm4b:s13+s2], $0x80, v3, vm0, $0xb8;
	[tilespmem:$0x10080] =	vst v63  }
0x8b: {  	s24 =	simm.s32 $0x6080  }
0x8c: {  	[tilespmem:s24], [sflag:$0x1] =	stream.indirect_vreg.gather [hbm4b:s15+s2], $0x80, v3, vm0, $0xb8;
	[tilespmem:$0x10080] =	vst v63  }
0x8d: {  	s18 =	simm.s32 $0x6880  }
0x8e: {  	[tilespmem:s18], [sflag:$0x1] =	stream.indirect_vreg.gather [hbm4b:s17+s2], $0x80, v3, vm0, $0xb8;
	[tilespmem:$0x10080] =	vst v63  }
0x8f: {  	s20 =	simm.s32 $0x7080  }
0x90: {  	[tilespmem:s20], [sflag:$0x1] =	stream.indirect_vreg.gather [hbm4b:s19+s2], $0x80, v3, vm0, $0xb8;
	[tilespmem:$0x10080] =	vst v63  }
0x91: {  	s21 =	simm.s32 $0x7880  }
0x92: {  	[tilespmem:s21], [sflag:$0x1] =	stream.indirect_vreg.gather [hbm4b:s30+s2], $0x80, v3, vm0, $0xb8;
	[tilespmem:$0x10080] =	vst v63  }
0x93: {  	_ =	swait.ge [sflag:s28], $0x8000  }
0x94: {  	[sflag:s28] =	ssyncset.done $0x0  }
0x95: {  	s22 =	rddreg [dreg:$0x5];
	[sflag:s28] =	ssyncadd.s32 $0xFFFF8000  }
0x96: {  	[hbm4b:s22+s2] =	stream.linear.scatter [tilespmem:s3], [sflag:$0x4], $0x8000, $0x38;
	[tilespmem:$0x10080] =	vst v63  }
0x97: {  	_ =	swait.ge [sflag:s29], $0x8000  }
0x98: {  	[sflag:s29] =	ssyncset.done $0x0  }
0x99: {  	[sflag:s29] =	ssyncadd.s32 $0xFFFF8000  }
0x9a: {  	v3 =	vld [tilespmem:$0x30];
	_ =	sdelay $0x4  }
0x9b: {  	v59 =	vshll.u32 v3, $0x4  }
0x9c: {  	v3 =	vand.u32 $0x7, v3;
	v4 =	vand.u32 $0xFFFFFF80, v59  }
0x9d: {  	v3 =	vor.u32 v3, v4  }
0x9e: {  	v4 =	vperm.xlane v3, v0;
	_ =	sdelay $0x1  }
0x9f: {  	v4 =	vadd.s32 v1, v4;
	_ =	sdelay $0x4  }
0xa0: {  	[tilespmem:s3], [sflag:$0x2] =	stream.indirect_vreg.gather [hbm4b:s4+s2], $0x80, v4, vm0, $0xb8;
	[tilespmem:$0x10080] =	vst v63  }
0xa1: {  	s1 =	simm.s32 $0x8880  }
0xa2: {  	[tilespmem:s1], [sflag:$0x2] =	stream.indirect_vreg.gather [hbm4b:s9+s2], $0x80, v4, vm0, $0xb8;
	[tilespmem:$0x10080] =	vst v63  }
0xa3: {  	s23 =	simm.s32 $0x9080  }
0xa4: {  	[tilespmem:s23], [sflag:$0x2] =	stream.indirect_vreg.gather [hbm4b:s11+s2], $0x80, v4, vm0, $0xb8;
	[tilespmem:$0x10080] =	vst v63  }
0xa5: {  	s7 =	simm.s32 $0x9880  }
0xa6: {  	[tilespmem:s7], [sflag:$0x2] =	stream.indirect_vreg.gather [hbm4b:s13+s2], $0x80, v4, vm0, $0xb8;
	[tilespmem:$0x10080] =	vst v63  }
0xa7: {  	s8 =	simm.s32 $0xA080  }
0xa8: {  	[tilespmem:s8], [sflag:$0x2] =	stream.indirect_vreg.gather [hbm4b:s15+s2], $0x80, v4, vm0, $0xb8;
	[tilespmem:$0x10080] =	vst v63  }
0xa9: {  	s10 =	simm.s32 $0xA880;
	v3 =	vperm.xlane v3, v2  }
0xaa: {  	[tilespmem:s10], [sflag:$0x2] =	stream.indirect_vreg.gather [hbm4b:s17+s2], $0x80, v4, vm0, $0xb8;
	[tilespmem:$0x10080] =	vst v63  }
0xab: {  	v3 =	vadd.s32 v1, v3;
	s8 =	simm.s32 $0xB080  }
0xac: {  	[tilespmem:s8], [sflag:$0x2] =	stream.indirect_vreg.gather [hbm4b:s19+s2], $0x80, v4, vm0, $0xb8;
	[tilespmem:$0x10080] =	vst v63  }
0xad: {  	s10 =	simm.s32 $0xB880  }
0xae: {  	[tilespmem:s10], [sflag:$0x2] =	stream.indirect_vreg.gather [hbm4b:s30+s2], $0x80, v4, vm0, $0xb8;
	[tilespmem:$0x10080] =	vst v63  }
0xaf: {  	s12 =	simm.s32 $0xC080  }
0xb0: {  	[tilespmem:s12], [sflag:$0x2] =	stream.indirect_vreg.gather [hbm4b:s4+s2], $0x80, v3, vm0, $0xb8;
	[tilespmem:$0x10080] =	vst v63  }
0xb1: {  	s14 =	simm.s32 $0xC880  }
0xb2: {  	[tilespmem:s14], [sflag:$0x2] =	stream.indirect_vreg.gather [hbm4b:s9+s2], $0x80, v3, vm0, $0xb8;
	[tilespmem:$0x10080] =	vst v63  }
0xb3: {  	s16 =	simm.s32 $0xD080  }
0xb4: {  	[tilespmem:s16], [sflag:$0x2] =	stream.indirect_vreg.gather [hbm4b:s11+s2], $0x80, v3, vm0, $0xb8;
	[tilespmem:$0x10080] =	vst v63  }
0xb5: {  	s18 =	simm.s32 $0xD880  }
0xb6: {  	[tilespmem:s18], [sflag:$0x2] =	stream.indirect_vreg.gather [hbm4b:s13+s2], $0x80, v3, vm0, $0xb8;
	[tilespmem:$0x10080] =	vst v63  }
0xb7: {  	s20 =	simm.s32 $0xE080  }
0xb8: {  	[tilespmem:s20], [sflag:$0x2] =	stream.indirect_vreg.gather [hbm4b:s15+s2], $0x80, v3, vm0, $0xb8;
	[tilespmem:$0x10080] =	vst v63  }
0xb9: {  	s21 =	simm.s32 $0xE880  }
0xba: {  	[tilespmem:s21], [sflag:$0x2] =	stream.indirect_vreg.gather [hbm4b:s17+s2], $0x80, v3, vm0, $0xb8;
	[tilespmem:$0x10080] =	vst v63  }
0xbb: {  	s22 =	simm.s32 $0xF080  }
0xbc: {  	[tilespmem:s22], [sflag:$0x2] =	stream.indirect_vreg.gather [hbm4b:s19+s2], $0x80, v3, vm0, $0xb8;
	[tilespmem:$0x10080] =	vst v63  }
0xbd: {  	s23 =	simm.s32 $0xF880  }
0xbe: {  	[tilespmem:s23], [sflag:$0x2] =	stream.indirect_vreg.gather [hbm4b:s30+s2], $0x80, v3, vm0, $0xb8;
	[tilespmem:$0x10080] =	vst v63  }
0xbf: {  	_ =	swait.ge [sflag:s25], $0x8000  }
0xc0: {  	[sflag:s25] =	ssyncset.done $0x0  }
0xc1: {  	s0 =	rddreg [dreg:$0x6];
	[sflag:s25] =	ssyncadd.s32 $0xFFFF8000  }
0xc2: {  	[hbm4b:s0+s2] =	stream.linear.scatter [tilespmem:s5], [sflag:$0x3], $0x8000, $0x38;
	[tilespmem:$0x10080] =	vst v63  }
0xc3: {  	_ =	swait.ge [sflag:s26], $0x8000  }
0xc4: {  	[sflag:s26] =	ssyncset.done $0x0  }
0xc5: {  	[sflag:s26] =	ssyncadd.s32 $0xFFFF8000  }
0xc6: {  	v3 =	vld [tilespmem:$0x40];
	_ =	sdelay $0x4  }
0xc7: {  	v60 =	vshll.u32 v3, $0x4  }
0xc8: {  	v3 =	vand.u32 $0x7, v3;
	v4 =	vand.u32 $0xFFFFFF80, v60  }
0xc9: {  	v3 =	vor.u32 v3, v4  }
0xca: {  	v4 =	vperm.xlane v3, v0;
	_ =	sdelay $0x1  }
0xcb: {  	v4 =	vadd.s32 v1, v4;
	_ =	sdelay $0x4  }
0xcc: {  	[tilespmem:s5], [sflag:$0x1] =	stream.indirect_vreg.gather [hbm4b:s4+s2], $0x80, v4, vm0, $0xb8;
	[tilespmem:$0x10080] =	vst v63  }
0xcd: {  	s0 =	simm.s32 $0x880  }
0xce: {  	[tilespmem:s0], [sflag:$0x1] =	stream.indirect_vreg.gather [hbm4b:s9+s2], $0x80, v4, vm0, $0xb8;
	[tilespmem:$0x10080] =	vst v63  }
0xcf: {  	s0 =	simm.s32 $0x1080  }
0xd0: {  	[tilespmem:s0], [sflag:$0x1] =	stream.indirect_vreg.gather [hbm4b:s11+s2], $0x80, v4, vm0, $0xb8;
	[tilespmem:$0x10080] =	vst v63  }
0xd1: {  	s0 =	simm.s32 $0x1880  }
0xd2: {  	[tilespmem:s0], [sflag:$0x1] =	stream.indirect_vreg.gather [hbm4b:s13+s2], $0x80, v4, vm0, $0xb8;
	[tilespmem:$0x10080] =	vst v63  }
0xd3: {  	s0 =	simm.s32 $0x2080  }
0xd4: {  	[tilespmem:s0], [sflag:$0x1] =	stream.indirect_vreg.gather [hbm4b:s15+s2], $0x80, v4, vm0, $0xb8;
	[tilespmem:$0x10080] =	vst v63  }
0xd5: {  	v3 =	vperm.xlane v3, v2;
	s0 =	simm.s32 $0x2880  }
0xd6: {  	[tilespmem:s0], [sflag:$0x1] =	stream.indirect_vreg.gather [hbm4b:s17+s2], $0x80, v4, vm0, $0xb8;
	[tilespmem:$0x10080] =	vst v63  }
0xd7: {  	v3 =	vadd.s32 v1, v3;
	s0 =	simm.s32 $0x3080  }
0xd8: {  	[tilespmem:s0], [sflag:$0x1] =	stream.indirect_vreg.gather [hbm4b:s19+s2], $0x80, v4, vm0, $0xb8;
	[tilespmem:$0x10080] =	vst v63  }
0xd9: {  	s0 =	simm.s32 $0x3880  }
0xda: {  	[tilespmem:s0], [sflag:$0x1] =	stream.indirect_vreg.gather [hbm4b:s30+s2], $0x80, v4, vm0, $0xb8;
	[tilespmem:$0x10080] =	vst v63  }
0xdb: {  	s0 =	simm.s32 $0x4080  }
0xdc: {  	[tilespmem:s0], [sflag:$0x1] =	stream.indirect_vreg.gather [hbm4b:s4+s2], $0x80, v3, vm0, $0xb8;
	[tilespmem:$0x10080] =	vst v63  }
0xdd: {  	s0 =	simm.s32 $0x4880  }
0xde: {  	[tilespmem:s0], [sflag:$0x1] =	stream.indirect_vreg.gather [hbm4b:s9+s2], $0x80, v3, vm0, $0xb8;
	[tilespmem:$0x10080] =	vst v63  }
0xdf: {  	s0 =	simm.s32 $0x5080  }
0xe0: {  	[tilespmem:s0], [sflag:$0x1] =	stream.indirect_vreg.gather [hbm4b:s11+s2], $0x80, v3, vm0, $0xb8;
	[tilespmem:$0x10080] =	vst v63  }
0xe1: {  	_ = 	snop  }
0xe2: {  	[tilespmem:s31], [sflag:$0x1] =	stream.indirect_vreg.gather [hbm4b:s13+s2], $0x80, v3, vm0, $0xb8;
	[tilespmem:$0x10080] =	vst v63  }
0xe3: {  	_ = 	snop  }
0xe4: {  	[tilespmem:s24], [sflag:$0x1] =	stream.indirect_vreg.gather [hbm4b:s15+s2], $0x80, v3, vm0, $0xb8;
	[tilespmem:$0x10080] =	vst v63  }
0xe5: {  	s0 =	simm.s32 $0x6880  }
0xe6: {  	[tilespmem:s0], [sflag:$0x1] =	stream.indirect_vreg.gather [hbm4b:s17+s2], $0x80, v3, vm0, $0xb8;
	[tilespmem:$0x10080] =	vst v63  }
0xe7: {  	s0 =	simm.s32 $0x7080  }
0xe8: {  	[tilespmem:s0], [sflag:$0x1] =	stream.indirect_vreg.gather [hbm4b:s19+s2], $0x80, v3, vm0, $0xb8;
	[tilespmem:$0x10080] =	vst v63  }
0xe9: {  	s0 =	simm.s32 $0x7880  }
0xea: {  	[tilespmem:s0], [sflag:$0x1] =	stream.indirect_vreg.gather [hbm4b:s30+s2], $0x80, v3, vm0, $0xb8;
	[tilespmem:$0x10080] =	vst v63  }
0xeb: {  	_ =	swait.ge [sflag:s28], $0x8000  }
0xec: {  	[sflag:s28] =	ssyncset.done $0x0  }
0xed: {  	s0 =	rddreg [dreg:$0x7];
	[sflag:s28] =	ssyncadd.s32 $0xFFFF8000  }
0xee: {  	[hbm4b:s0+s2] =	stream.linear.scatter [tilespmem:s3], [sflag:$0x4], $0x8000, $0x38;
	[tilespmem:$0x10080] =	vst v63  }
0xef: {  	_ =	swait.ge [sflag:s29], $0x8000  }
0xf0: {  	[sflag:s29] =	ssyncset.done $0x0  }
0xf1: {  	[sflag:s29] =	ssyncadd.s32 $0xFFFF8000  }
0xf2: {  	v3 =	vld [tilespmem:$0x50];
	_ =	sdelay $0x4  }
0xf3: {  	v61 =	vshll.u32 v3, $0x4  }
0xf4: {  	v3 =	vand.u32 $0x7, v3;
	v4 =	vand.u32 $0xFFFFFF80, v61  }
0xf5: {  	v3 =	vor.u32 v3, v4  }
0xf6: {  	v4 =	vperm.xlane v3, v0;
	_ =	sdelay $0x1  }
0xf7: {  	v4 =	vadd.s32 v1, v4;
	_ =	sdelay $0x4  }
0xf8: {  	[tilespmem:s3], [sflag:$0x2] =	stream.indirect_vreg.gather [hbm4b:s4+s2], $0x80, v4, vm0, $0xb8;
	[tilespmem:$0x10080] =	vst v63  }
0xf9: {  	_ = 	snop  }
0xfa: {  	[tilespmem:s1], [sflag:$0x2] =	stream.indirect_vreg.gather [hbm4b:s9+s2], $0x80, v4, vm0, $0xb8;
	[tilespmem:$0x10080] =	vst v63  }
0xfb: {  	s0 =	simm.s32 $0x9080  }
0xfc: {  	[tilespmem:s0], [sflag:$0x2] =	stream.indirect_vreg.gather [hbm4b:s11+s2], $0x80, v4, vm0, $0xb8;
	[tilespmem:$0x10080] =	vst v63  }
0xfd: {  	_ = 	snop  }
0xfe: {  	[tilespmem:s7], [sflag:$0x2] =	stream.indirect_vreg.gather [hbm4b:s13+s2], $0x80, v4, vm0, $0xb8;
	[tilespmem:$0x10080] =	vst v63  }
0xff: {  	s0 =	simm.s32 $0xA080  }
0x100: {  	[tilespmem:s0], [sflag:$0x2] =	stream.indirect_vreg.gather [hbm4b:s15+s2], $0x80, v4, vm0, $0xb8;
	[tilespmem:$0x10080] =	vst v63  }
0x101: {  	v3 =	vperm.xlane v3, v2;
	s0 =	simm.s32 $0xA880  }
0x102: {  	[tilespmem:s0], [sflag:$0x2] =	stream.indirect_vreg.gather [hbm4b:s17+s2], $0x80, v4, vm0, $0xb8;
	[tilespmem:$0x10080] =	vst v63  }
0x103: {  	v3 =	vadd.s32 v1, v3  }
0x104: {  	[tilespmem:s8], [sflag:$0x2] =	stream.indirect_vreg.gather [hbm4b:s19+s2], $0x80, v4, vm0, $0xb8;
	[tilespmem:$0x10080] =	vst v63  }
0x105: {  	_ = 	snop  }
0x106: {  	[tilespmem:s10], [sflag:$0x2] =	stream.indirect_vreg.gather [hbm4b:s30+s2], $0x80, v4, vm0, $0xb8;
	[tilespmem:$0x10080] =	vst v63  }
0x107: {  	_ = 	snop  }
0x108: {  	[tilespmem:s12], [sflag:$0x2] =	stream.indirect_vreg.gather [hbm4b:s4+s2], $0x80, v3, vm0, $0xb8;
	[tilespmem:$0x10080] =	vst v63  }
0x109: {  	_ = 	snop  }
0x10a: {  	[tilespmem:s14], [sflag:$0x2] =	stream.indirect_vreg.gather [hbm4b:s9+s2], $0x80, v3, vm0, $0xb8;
	[tilespmem:$0x10080] =	vst v63  }
0x10b: {  	_ = 	snop  }
0x10c: {  	[tilespmem:s16], [sflag:$0x2] =	stream.indirect_vreg.gather [hbm4b:s11+s2], $0x80, v3, vm0, $0xb8;
	[tilespmem:$0x10080] =	vst v63  }
0x10d: {  	_ = 	snop  }
0x10e: {  	[tilespmem:s18], [sflag:$0x2] =	stream.indirect_vreg.gather [hbm4b:s13+s2], $0x80, v3, vm0, $0xb8;
	[tilespmem:$0x10080] =	vst v63  }
0x10f: {  	_ = 	snop  }
0x110: {  	[tilespmem:s20], [sflag:$0x2] =	stream.indirect_vreg.gather [hbm4b:s15+s2], $0x80, v3, vm0, $0xb8;
	[tilespmem:$0x10080] =	vst v63  }
0x111: {  	_ = 	snop  }
0x112: {  	[tilespmem:s21], [sflag:$0x2] =	stream.indirect_vreg.gather [hbm4b:s17+s2], $0x80, v3, vm0, $0xb8;
	[tilespmem:$0x10080] =	vst v63  }
0x113: {  	_ = 	snop  }
0x114: {  	[tilespmem:s22], [sflag:$0x2] =	stream.indirect_vreg.gather [hbm4b:s19+s2], $0x80, v3, vm0, $0xb8;
	[tilespmem:$0x10080] =	vst v63  }
0x115: {  	_ = 	snop  }
0x116: {  	[tilespmem:s23], [sflag:$0x2] =	stream.indirect_vreg.gather [hbm4b:s30+s2], $0x80, v3, vm0, $0xb8;
	[tilespmem:$0x10080] =	vst v63  }
0x117: {  	_ =	swait.ge [sflag:s25], $0x8000  }
0x118: {  	[sflag:s25] =	ssyncset.done $0x0  }
0x119: {  	s0 =	rddreg [dreg:$0x8];
	[sflag:s25] =	ssyncadd.s32 $0xFFFF8000  }
0x11a: {  	[hbm4b:s0+s2] =	stream.linear.scatter [tilespmem:s5], [sflag:$0x3], $0x8000, $0x38;
	[tilespmem:$0x10080] =	vst v63  }
0x11b: {  	_ =	swait.ge [sflag:s26], $0x8000  }
0x11c: {  	[sflag:s26] =	ssyncset.done $0x0  }
0x11d: {  	[sflag:s26] =	ssyncadd.s32 $0xFFFF8000  }
0x11e: {  	v3 =	vld [tilespmem:$0x60];
	_ =	sdelay $0x4  }
0x11f: {  	v62 =	vshll.u32 v3, $0x4  }
0x120: {  	v3 =	vand.u32 $0x7, v3;
	v4 =	vand.u32 $0xFFFFFF80, v62  }
0x121: {  	v3 =	vor.u32 v3, v4  }
0x122: {  	v4 =	vperm.xlane v3, v0;
	_ =	sdelay $0x1  }
0x123: {  	v4 =	vadd.s32 v1, v4;
	_ =	sdelay $0x4  }
0x124: {  	[tilespmem:s5], [sflag:$0x1] =	stream.indirect_vreg.gather [hbm4b:s4+s2], $0x80, v4, vm0, $0xb8;
	[tilespmem:$0x10080] =	vst v63  }
0x125: {  	s0 =	simm.s32 $0x880  }
0x126: {  	[tilespmem:s0], [sflag:$0x1] =	stream.indirect_vreg.gather [hbm4b:s9+s2], $0x80, v4, vm0, $0xb8;
	[tilespmem:$0x10080] =	vst v63  }
0x127: {  	s0 =	simm.s32 $0x1080  }
0x128: {  	[tilespmem:s0], [sflag:$0x1] =	stream.indirect_vreg.gather [hbm4b:s11+s2], $0x80, v4, vm0, $0xb8;
	[tilespmem:$0x10080] =	vst v63  }
0x129: {  	s0 =	simm.s32 $0x1880  }
0x12a: {  	[tilespmem:s0], [sflag:$0x1] =	stream.indirect_vreg.gather [hbm4b:s13+s2], $0x80, v4, vm0, $0xb8;
	[tilespmem:$0x10080] =	vst v63  }
0x12b: {  	s0 =	simm.s32 $0x2080  }
0x12c: {  	[tilespmem:s0], [sflag:$0x1] =	stream.indirect_vreg.gather [hbm4b:s15+s2], $0x80, v4, vm0, $0xb8;
	[tilespmem:$0x10080] =	vst v63  }
0x12d: {  	v3 =	vperm.xlane v3, v2;
	s0 =	simm.s32 $0x2880  }
0x12e: {  	[tilespmem:s0], [sflag:$0x1] =	stream.indirect_vreg.gather [hbm4b:s17+s2], $0x80, v4, vm0, $0xb8;
	[tilespmem:$0x10080] =	vst v63  }
0x12f: {  	v3 =	vadd.s32 v1, v3;
	s0 =	simm.s32 $0x3080  }
0x130: {  	[tilespmem:s0], [sflag:$0x1] =	stream.indirect_vreg.gather [hbm4b:s19+s2], $0x80, v4, vm0, $0xb8;
	[tilespmem:$0x10080] =	vst v63  }
0x131: {  	s0 =	simm.s32 $0x3880  }
0x132: {  	[tilespmem:s0], [sflag:$0x1] =	stream.indirect_vreg.gather [hbm4b:s30+s2], $0x80, v4, vm0, $0xb8;
	[tilespmem:$0x10080] =	vst v63  }
0x133: {  	s0 =	simm.s32 $0x4080  }
0x134: {  	[tilespmem:s0], [sflag:$0x1] =	stream.indirect_vreg.gather [hbm4b:s4+s2], $0x80, v3, vm0, $0xb8;
	[tilespmem:$0x10080] =	vst v63  }
0x135: {  	s0 =	simm.s32 $0x4880  }
0x136: {  	[tilespmem:s0], [sflag:$0x1] =	stream.indirect_vreg.gather [hbm4b:s9+s2], $0x80, v3, vm0, $0xb8;
	[tilespmem:$0x10080] =	vst v63  }
0x137: {  	s0 =	simm.s32 $0x5080  }
0x138: {  	[tilespmem:s0], [sflag:$0x1] =	stream.indirect_vreg.gather [hbm4b:s11+s2], $0x80, v3, vm0, $0xb8;
	[tilespmem:$0x10080] =	vst v63  }
0x139: {  	s31 =	simm.s32 $0x5880  }
0x13a: {  	[tilespmem:s31], [sflag:$0x1] =	stream.indirect_vreg.gather [hbm4b:s13+s2], $0x80, v3, vm0, $0xb8;
	[tilespmem:$0x10080] =	vst v63  }
0x13b: {  	s24 =	simm.s32 $0x6080  }
0x13c: {  	[tilespmem:s24], [sflag:$0x1] =	stream.indirect_vreg.gather [hbm4b:s15+s2], $0x80, v3, vm0, $0xb8;
	[tilespmem:$0x10080] =	vst v63  }
0x13d: {  	s24 =	simm.s32 $0x6880  }
0x13e: {  	[tilespmem:s24], [sflag:$0x1] =	stream.indirect_vreg.gather [hbm4b:s17+s2], $0x80, v3, vm0, $0xb8;
	[tilespmem:$0x10080] =	vst v63  }
0x13f: {  	s31 =	simm.s32 $0x7080  }
0x140: {  	[tilespmem:s31], [sflag:$0x1] =	stream.indirect_vreg.gather [hbm4b:s19+s2], $0x80, v3, vm0, $0xb8;
	[tilespmem:$0x10080] =	vst v63  }
0x141: {  	s24 =	simm.s32 $0x7880  }
0x142: {  	[tilespmem:s24], [sflag:$0x1] =	stream.indirect_vreg.gather [hbm4b:s30+s2], $0x80, v3, vm0, $0xb8;
	[tilespmem:$0x10080] =	vst v63  }
0x143: {  	_ =	swait.ge [sflag:s28], $0x8000  }
0x144: {  	[sflag:s28] =	ssyncset.done $0x0  }
0x145: {  	s31 =	rddreg [dreg:$0x9];
	[sflag:s28] =	ssyncadd.s32 $0xFFFF8000  }
0x146: {  	[hbm4b:s31+s2] =	stream.linear.scatter [tilespmem:s3], [sflag:$0x4], $0x8000, $0x38;
	[tilespmem:$0x10080] =	vst v63  }
0x147: {  	_ =	swait.ge [sflag:s29], $0x8000  }
0x148: {  	[sflag:s29] =	ssyncset.done $0x0  }
0x149: {  	[sflag:s29] =	ssyncadd.s32 $0xFFFF8000  }
0x14a: {  	v3 =	vld [tilespmem:$0x70];
	_ =	sdelay $0x4  }
0x14b: {  	v63 =	vshll.u32 v3, $0x4  }
0x14c: {  	v3 =	vand.u32 $0x7, v3;
	v4 =	vand.u32 $0xFFFFFF80, v63  }
0x14d: {  	v3 =	vor.u32 v3, v4  }
0x14e: {  	v4 =	vperm.xlane v3, v0;
	_ =	sdelay $0x1  }
0x14f: {  	v4 =	vadd.s32 v1, v4;
	_ =	sdelay $0x4  }
0x150: {  	[tilespmem:s3], [sflag:$0x2] =	stream.indirect_vreg.gather [hbm4b:s4+s2], $0x80, v4, vm0, $0xb8;
	[tilespmem:$0x10080] =	vst v63  }
0x151: {  	s1 =	simm.s32 $0x8880  }
0x152: {  	[tilespmem:s1], [sflag:$0x2] =	stream.indirect_vreg.gather [hbm4b:s9+s2], $0x80, v4, vm0, $0xb8;
	[tilespmem:$0x10080] =	vst v63  }
0x153: {  	s1 =	simm.s32 $0x9080  }
0x154: {  	[tilespmem:s1], [sflag:$0x2] =	stream.indirect_vreg.gather [hbm4b:s11+s2], $0x80, v4, vm0, $0xb8;
	[tilespmem:$0x10080] =	vst v63  }
0x155: {  	s7 =	simm.s32 $0x9880  }
0x156: {  	[tilespmem:s7], [sflag:$0x2] =	stream.indirect_vreg.gather [hbm4b:s13+s2], $0x80, v4, vm0, $0xb8;
	[tilespmem:$0x10080] =	vst v63  }
0x157: {  	s7 =	simm.s32 $0xA080  }
0x158: {  	[tilespmem:s7], [sflag:$0x2] =	stream.indirect_vreg.gather [hbm4b:s15+s2], $0x80, v4, vm0, $0xb8;
	[tilespmem:$0x10080] =	vst v63  }
0x159: {  	s24 =	simm.s32 $0xA880;
	v3 =	vperm.xlane v3, v2  }
0x15a: {  	[tilespmem:s24], [sflag:$0x2] =	stream.indirect_vreg.gather [hbm4b:s17+s2], $0x80, v4, vm0, $0xb8;
	[tilespmem:$0x10080] =	vst v63  }
0x15b: {  	s8 =	simm.s32 $0xB080;
	v3 =	vadd.s32 v1, v3  }
0x15c: {  	[tilespmem:s8], [sflag:$0x2] =	stream.indirect_vreg.gather [hbm4b:s19+s2], $0x80, v4, vm0, $0xb8;
	[tilespmem:$0x10080] =	vst v63  }
0x15d: {  	s10 =	simm.s32 $0xB880  }
0x15e: {  	[tilespmem:s10], [sflag:$0x2] =	stream.indirect_vreg.gather [hbm4b:s30+s2], $0x80, v4, vm0, $0xb8;
	[tilespmem:$0x10080] =	vst v63  }
0x15f: {  	s12 =	simm.s32 $0xC080  }
0x160: {  	[tilespmem:s12], [sflag:$0x2] =	stream.indirect_vreg.gather [hbm4b:s4+s2], $0x80, v3, vm0, $0xb8;
	[tilespmem:$0x10080] =	vst v63  }
0x161: {  	s14 =	simm.s32 $0xC880  }
0x162: {  	[tilespmem:s14], [sflag:$0x2] =	stream.indirect_vreg.gather [hbm4b:s9+s2], $0x80, v3, vm0, $0xb8;
	[tilespmem:$0x10080] =	vst v63  }
0x163: {  	s16 =	simm.s32 $0xD080  }
0x164: {  	[tilespmem:s16], [sflag:$0x2] =	stream.indirect_vreg.gather [hbm4b:s11+s2], $0x80, v3, vm0, $0xb8;
	[tilespmem:$0x10080] =	vst v63  }
0x165: {  	s18 =	simm.s32 $0xD880  }
0x166: {  	[tilespmem:s18], [sflag:$0x2] =	stream.indirect_vreg.gather [hbm4b:s13+s2], $0x80, v3, vm0, $0xb8;
	[tilespmem:$0x10080] =	vst v63  }
0x167: {  	s20 =	simm.s32 $0xE080  }
0x168: {  	[tilespmem:s20], [sflag:$0x2] =	stream.indirect_vreg.gather [hbm4b:s15+s2], $0x80, v3, vm0, $0xb8;
	[tilespmem:$0x10080] =	vst v63  }
0x169: {  	s21 =	simm.s32 $0xE880  }
0x16a: {  	[tilespmem:s21], [sflag:$0x2] =	stream.indirect_vreg.gather [hbm4b:s17+s2], $0x80, v3, vm0, $0xb8;
	[tilespmem:$0x10080] =	vst v63  }
0x16b: {  	s22 =	simm.s32 $0xF080  }
0x16c: {  	[tilespmem:s22], [sflag:$0x2] =	stream.indirect_vreg.gather [hbm4b:s19+s2], $0x80, v3, vm0, $0xb8;
	[tilespmem:$0x10080] =	vst v63  }
0x16d: {  	s23 =	simm.s32 $0xF880  }
0x16e: {  	[tilespmem:s23], [sflag:$0x2] =	stream.indirect_vreg.gather [hbm4b:s30+s2], $0x80, v3, vm0, $0xb8;
	[tilespmem:$0x10080] =	vst v63  }
0x16f: {  	_ =	swait.ge [sflag:s25], $0x8000  }
0x170: {  	[sflag:s25] =	ssyncset.done $0x0  }
0x171: {  	s30 =	rddreg [dreg:$0xa];
	[sflag:s25] =	ssyncadd.s32 $0xFFFF8000  }
0x172: {  	[hbm4b:s30+s2] =	stream.linear.scatter [tilespmem:s5], [sflag:$0x3], $0x8000, $0x38;
	[tilespmem:$0x10080] =	vst v63  }
0x173: {  	_ =	swait.ge [sflag:s28], $0x8000  }
0x174: {  	[sflag:s28] =	ssyncset.done $0x0  }
0x175: {  	s31 =	rddreg [dreg:$0xb];
	[sflag:s28] =	ssyncadd.s32 $0xFFFF8000  }
0x176: {  	[hbm4b:s31+s2] =	stream.linear.scatter [tilespmem:s3], [sflag:$0x4], $0x8000, $0x38;
	[tilespmem:$0x10080] =	vst v63  }
0x177: {  	p0 =	sne.s32 s6, $0x1;
	_ =	swait.ge [sflag:s26], $0x8000  }
.Ltmp0:
0x178: {  	[sflag:s26] =	ssyncset.done $0x0;
	(pc) =	sbr.rel @p0 .LBB2_1-.Ltmp0, $4  }
0x179: {  	[sflag:s26] =	ssyncadd.s32 $0xFFFF8000  }
0x17a: {  	_ =	swait.ge [sflag:s29], $0x8000  }
0x17b: {  	[sflag:s29] =	ssyncset.done $0x0  }
0x17c: {  	s6 =	sadd.s32 $0xFFFFFFFF, s6;
	[sflag:s29] =	ssyncadd.s32 $0xFFFF8000  }
0x17d: {  	_ =	sfence.sel $0x180000  }
0x17e: {  	[bflag:$0x0] =	sbarrier.arrive $0xFFFF  }
0x17f: {  	_ =	strace $0x90000047  }
0x180: {  	s0 =	stileid.u32;
	[bflag:$0x2] =	sbarrier.arrive $0xFFFF  }
0x181: {  	p0 =	sne.s32 s0, $0x0;
	s0 =	rddreg [dreg:$0x3]  }
0x182: {  	s0 =	sadd.s32 @!p0 $0x100000, s0  }
0x183: {  	[sflag:s0] =	ssyncadd.tile.s32 @!p0 $0x1;
	_ =	shalt  }
.Lfunc_end2:
_tile_overlayer_lowered:
.L_overlay_start_2:
0x184: {  	(tag) =	ssettag $0x2  }
0x185: {  	s0 =	rddreg [dreg:$0x0];
	s2 =	stileid.u32  }
0x186: {  	s1 =	rddreg [dreg:$0x1];
	p0 =	sne.s32 s2, $0x0  }
0x187: {  	s3 =	rddreg [dreg:$0x2];
	[bflag:$0x3] =	sbarrier.arrive $0xFFFF;
	s2 =	simm.s32 @!p0 $0x1C05  }
0x188: {  	[timem:s3], [sflag:s2] =	dma.local @!p0 [hbm:s0], s1  }
0x189: {  	s0 =	simm.s32 @!p0 $0x5  }
0x18a: {  	_ =	swait.ge @!p0 [sflag:s0], s1  }
0x18b: {  	s1 =	ssub.s32 @!p0 $0x0, s1;
	[sflag:s0] =	ssyncset.done @!p0 $0x0  }
0x18c: {  	[sflag:s0] =	ssyncadd.s32 @!p0 s1  }
0x18d: {  	[bflag:$0x3] =	sbarrier.arrive $0xFFFF  }
0x18e: {  	_ =	shalt  }

</sc_bundles>
